<compile_context>
chip_gen: v7x
topology: tpu7x:2x2x1
jax: 0.10.2.dev20260603
libtpu: 0.0.44.dev20260713+nightly
codegen_flags: <defaults>
</compile_context>

<pallas_src>
import functools

import jax
import jax.numpy as jnp
from jax import lax
from jax.experimental import pallas as pl
from jax.experimental.pallas import tpu as pltpu
from jax.experimental.pallas import tpu_sc as plsc

N = 10000
D = 128
SAMPLE = 3

BR = 1024
BK = 2048
RB = 10
KB = 5
NPAD = 10240

BC = 512
CB = 20

NW = 32
BPW = 960
ICH = 120
NCH = 8

_BIGI = 2 ** 30


_LOWM = 0x3FFF
_HIGHM = ~_LOWM
_IMIN = -2 ** 31
_IMAX = 2 ** 31 - 1


def _fused_body(adjl_ref, adjr_ref, x_ref, inv_ref,
                cap_ref, hi_ref, idx_ref, acc_ref, rk_ref):
    k = pl.program_id(1)
    nk = pl.num_programs(1)

    @pl.when(k == 0)
    def _init():
        acc_ref[...] = jnp.zeros_like(acc_ref)
        rk_ref[...] = jnp.full_like(rk_ref, -jnp.inf)

    h = BK // 2
    andm = inv_ref[...]
    orm = cap_ref[...]

    a0l = jnp.where(andm[:, :h] < 0, adjl_ref[...], 0.0)
    a0r = jnp.where(andm[:, h:] < 0, adjr_ref[...], 0.0)
    acc_ref[...] += (
        jnp.dot(a0l, x_ref[:h, :], preferred_element_type=jnp.float32)
        + jnp.dot(a0r, x_ref[h:, :], preferred_element_type=jnp.float32))

    ms = []
    for aref, sl in ((adjl_ref, 0), (adjr_ref, h)):
        bits = lax.bitcast_convert_type(aref[...], jnp.int32)
        key_i = (bits & andm[:, sl:sl + h]) | orm[:, sl:sl + h]
        key = lax.bitcast_convert_type(key_i, jnp.float32)
        for t in range(SAMPLE):
            m = jnp.max(key, axis=1, keepdims=True)
            ms.append(m)
            if t < SAMPLE - 1:
                key = jnp.where(key == m, -jnp.inf, key)

    pos = lax.broadcasted_iota(jnp.int32, (BR, 32), 1)
    base = 6 * k
    parked = rk_ref[...]
    for i in range(6):
        parked = jnp.where(pos == base + i, ms[i], parked)
    rk_ref[...] = parked

    @pl.when(k == nk - 1)
    def _fin():
        hi_ref[...] = acc_ref[...]
        cand = rk_ref[...]
        picks = []
        for t in range(SAMPLE):
            m = jnp.max(cand, axis=1, keepdims=True)
            mi = lax.bitcast_convert_type(m, jnp.int32)
            picks.append((mi & _LOWM) ^ _LOWM)
            if t < SAMPLE - 1:
                cand = jnp.where(cand == m, -jnp.inf, cand)
        ipad5 = jnp.full((BR, 5), 0, jnp.int32)
        idx_ref[...] = jnp.concatenate(picks + [ipad5], axis=1)

def _fused_call(adj, x_pad, inv, cap, interpret=False):
    return pl.pallas_call(
        _fused_body,
        grid=(RB, KB),
        in_specs=[
            pl.BlockSpec((BR, BK // 2), lambda r, k: (r, 2 * k)),
            pl.BlockSpec((BR, BK // 2), lambda r, k: (r, 2 * k + 1)),
            pl.BlockSpec((BK, D), lambda r, k: (k, 0)),
            pl.BlockSpec((1, BK), lambda r, k: (0, k)),
            pl.BlockSpec((1, BK), lambda r, k: (0, k)),
        ],
        out_specs=[
            pl.BlockSpec((BR, D), lambda r, k: (r, 0)),
            pl.BlockSpec((BR, 8), lambda r, k: (r, 0)),
        ],
        out_shape=[
            jax.ShapeDtypeStruct((N, D), jnp.float32),
            jax.ShapeDtypeStruct((N, 8), jnp.int32),
        ],
        scratch_shapes=[
            pltpu.VMEM((BR, D), jnp.float32),
            pltpu.VMEM((BR, 32), jnp.float32),
        ],
        compiler_params=pltpu.CompilerParams(
            dimension_semantics=("parallel", "arbitrary")),
        interpret=interpret,
    )(adj, adj, x_pad, inv, cap)


def _sc_gather_body(idx_hbm, table_hbm, out_hbm, idx_v, rows_v, sem):
    wid = lax.axis_index("s") * 2 + lax.axis_index("c")
    pltpu.sync_copy(idx_hbm.at[wid], idx_v)
    copies = [
        pltpu.async_copy(
            table_hbm.at[idx_v.at[j]],
            rows_v.at[pl.ds(j * ICH, ICH)],
            sem,
        )
        for j in range(NCH)
    ]
    for c in copies:
        c.wait()
    pltpu.sync_copy(rows_v, out_hbm.at[pl.ds(wid * BPW, BPW)])


def _sc_gather_call(idx_chunks, table):
    return pl.kernel(
        _sc_gather_body,
        out_type=jax.ShapeDtypeStruct((NW * BPW, D), jnp.float32),
        mesh=plsc.VectorSubcoreMesh(core_axis_name="c", subcore_axis_name="s"),
        scratch_types=[
            pltpu.VMEM((NCH, ICH), jnp.int32),
            pltpu.VMEM((BPW, D), jnp.float32),
            pltpu.SemaphoreType.DMA,
        ],
    )(idx_chunks, table)


def _epilogue_body(coef_ref, hi_ref, x_ref, h0_ref, g0_ref, g1_ref, g2_ref,
                   w_ref, o_ref):
    w = w_ref[...]
    mm = jnp.dot(hi_ref[...], w[:D, :], preferred_element_type=jnp.float32)
    mm += jnp.dot(x_ref[...], w[D:, :], preferred_element_type=jnp.float32)
    gsum = g0_ref[...] + g1_ref[...] + g2_ref[...]
    o_ref[...] = (coef_ref[0] * mm + coef_ref[1] * x_ref[...]
                  + coef_ref[2] * h0_ref[...] + coef_ref[3] * gsum)


def _epilogue_call(coefs, hi, x, h0, g, w, interpret=False):
    row_spec = pl.BlockSpec((BC, D), lambda r: (r, 0))
    return pl.pallas_call(
        _epilogue_body,
        grid=(CB,),
        in_specs=[
            pl.BlockSpec(memory_space=pltpu.SMEM),
            row_spec,
            row_spec,
            row_spec,
            pl.BlockSpec((BC, D), lambda r: (r, 0)),
            pl.BlockSpec((BC, D), lambda r: (r + CB, 0)),
            pl.BlockSpec((BC, D), lambda r: (r + 2 * CB, 0)),
            pl.BlockSpec((2 * D, D), lambda r: (0, 0)),
        ],
        out_specs=pl.BlockSpec((BC, D), lambda r: (r, 0)),
        out_shape=jax.ShapeDtypeStruct((N, D), jnp.float32),
        compiler_params=pltpu.CompilerParams(
            dimension_semantics=("arbitrary",)),
        interpret=interpret,
    )(coefs, hi, x, h0, g, g, g, w)


def kernel(input, adj, h0, W, lamda, alpha, l):
    x = input
    theta = jnp.minimum(1.0, jnp.log(lamda / l + 1.0)).astype(jnp.float32)
    alpha = jnp.asarray(alpha, jnp.float32)
    coefs = jnp.stack([
        theta,
        (1.0 - theta) * (1.0 - alpha),
        (1.0 - theta) * alpha,
        (1.0 - theta) * 0.1 / 3.0,
    ]).astype(jnp.float32)

    x_pad = jnp.pad(x, ((0, NPAD - N), (0, 0)))
    colg = jnp.arange(NPAD, dtype=jnp.int32)
    valid = colg < N
    andm = jnp.where(valid, _HIGHM, 0).astype(jnp.int32).reshape(1, NPAD)
    orm = jnp.where(valid, colg ^ _LOWM, 0).astype(jnp.int32).reshape(1, NPAD)
    hi, idx8 = _fused_call(adj, x_pad, andm, orm)

    idx3 = idx8[:, :SAMPLE]
    idx_flat = jnp.pad(idx3, ((0, NPAD - N), (0, 0))).T
    idx_chunks = idx_flat.reshape(NW, NCH, ICH)
    g = _sc_gather_call(idx_chunks, x)

    return _epilogue_call(coefs, hi, x, h0, g, W)

# --- scband reference (transcript-rebuilt; emitter-appended) ---
"""Pipeline reference for scband-graph-convolution-72387378807298 (READ-ONLY COPY).

The authoritative reference and input builder live on the scoring server;
editing this copy changes nothing except your own understanding.
"""

import math
import jax, jax.numpy as jnp
import numpy as np

N = 10000
D = 128
SAMPLE_NUM = 3


def setup_inputs(seed: int = 0) -> dict:
    key = jax.random.key(seed)
    k1, k2, k3, k4 = jax.random.split(key, 4)
    x = jax.random.normal(k1, (N, D), dtype=jnp.float32)
    adj = jax.random.uniform(k2, (N, N), dtype=jnp.float32)
    h0 = jax.random.normal(k3, (N, D), dtype=jnp.float32)
    stdv = 1.0 / math.sqrt(D)
    # variant=True => in_features doubles: weight is [2*D, D]
    W = jax.random.uniform(k4, (2 * D, D), dtype=jnp.float32, minval=-stdv, maxval=stdv)
    lamda = jnp.ones((), dtype=jnp.float32)
    alpha = jnp.zeros((), dtype=jnp.float32)
    l = 1
    return {"input": x, "adj": adj, "h0": h0, "W": W, "lamda": lamda, "alpha": alpha, "l": l}


def reference(input, adj, h0, W, lamda, alpha, l):
    theta = jnp.minimum(1.0, jnp.log(lamda / l + 1.0))
    # aggregate(): original samples 3 random neighbors per row of the (dense,
    # all-positive) adjacency and averages their features. We make the sampling
    # deterministic by taking the top-3 adjacency entries per row (3 distinct
    # neighbors, uniform 1/3 weights => mask.div(num_neigh) @ x == mean gather).
    _, idx = jax.lax.top_k(adj, SAMPLE_NUM)  # [N, 3] int32
    agg = jnp.take(input, idx, axis=0).mean(axis=1)  # [N, D]
    r = (1.0 - alpha) * input + alpha * h0 + 0.1 * agg
    hi = adj @ input  # torch.spmm with dense adj
    support = jnp.concatenate([hi, input], axis=1)  # [N, 2D]
    output = theta * (support @ W) + (1.0 - theta) * r
    return output

if __name__ == "__main__":
    import jax
    _d = setup_inputs()
    print(jax.jit(kernel)(*tuple(_d.values())))

</pallas_src>

<mosaic_0001>
#map = affine_map<(d0, d1) -> (0, 0, 0)>
#map1 = affine_map<(d0, d1) -> (0, 0)>
module attributes {stable_mosaic.version = 14 : i64} {
  func.func @_sc_gather_body(%arg0: i32, %arg1: i32, %arg2: memref<32x8x120xi32, #tpu.memory_space<hbm>>, %arg3: memref<10000x128xf32, #tpu.memory_space<hbm>>, %arg4: memref<30720x128xf32, #tpu.memory_space<hbm>>, %arg5: memref<8x120xi32, #tpu.memory_space<vmem>>, %arg6: memref<960x128xf32, #tpu.memory_space<vmem>>, %arg7: memref<!tpu.dma_semaphore, #tpu.memory_space<semaphore_mem>>) attributes {dimension_semantics = [#tpu.dimension_semantics<core_parallel>, #tpu.dimension_semantics<subcore_parallel>], iteration_bounds = array<i64: 2, 16>, scalar_prefetch = 0 : i64, scratch_operands = 3 : i64, tpu.core_type = #tpu.core_type<sc_vector_subcore>, window_params = [{transform_indices = #map}, {transform_indices = #map1}, {transform_indices = #map1}]} {
    %mul3A = arith.constant 2 : i32
    %mul3A_0 = arith.muli %arg1, %mul3A : i32
    %add3A = arith.addi %mul3A_0, %arg0 : i32
    "tpu.region"() ({
      %run_scoped3A = tpu.sem_alloc : memref<!tpu.dma_semaphore, #tpu.memory_space<semaphore_mem>>
      %dma_start3A_161 = arith.constant 0 : i32
      %dma_start3A_162 = arith.constant 0 : i32
      %dma_start3A_163 = tpu.memref_slice %arg2[%add3A, %dma_start3A_161, %dma_start3A_162] : memref<32x8x120xi32, #tpu.memory_space<hbm>> -> memref<1x8x120xi32, #tpu.memory_space<hbm>>
      %dma_start3A_164 = tpu.memref_squeeze %dma_start3A_163 : memref<1x8x120xi32, #tpu.memory_space<hbm>> -> memref<8x120xi32, #tpu.memory_space<hbm>>
      %dma_start3A_165 = arith.constant 0 : i32
      %dma_start3A_166 = arith.constant 0 : i32
      %dma_start3A_167 = tpu.memref_slice %arg2[%add3A, %dma_start3A_165, %dma_start3A_166] : memref<32x8x120xi32, #tpu.memory_space<hbm>> -> memref<1x8x120xi32, #tpu.memory_space<hbm>>
      %dma_start3A_168 = tpu.memref_squeeze %dma_start3A_167 : memref<1x8x120xi32, #tpu.memory_space<hbm>> -> memref<8x120xi32, #tpu.memory_space<hbm>>
      tpu.enqueue_dma source(%dma_start3A_168 : memref<8x120xi32, #tpu.memory_space<hbm>>) target(%arg5 : memref<8x120xi32, #tpu.memory_space<vmem>>) target_semaphore(%run_scoped3A : memref<!tpu.dma_semaphore, #tpu.memory_space<semaphore_mem>>)
      %dma_wait3A_169 = arith.constant 0 : i32
      %dma_wait3A_170 = arith.constant 0 : i32
      %dma_wait3A_171 = tpu.memref_slice %arg2[%add3A, %dma_wait3A_169, %dma_wait3A_170] : memref<32x8x120xi32, #tpu.memory_space<hbm>> -> memref<1x8x120xi32, #tpu.memory_space<hbm>>
      %dma_wait3A_172 = tpu.memref_squeeze %dma_wait3A_171 : memref<1x8x120xi32, #tpu.memory_space<hbm>> -> memref<8x120xi32, #tpu.memory_space<hbm>>
      %dma_wait3A_173 = arith.constant 0 : i32
      %dma_wait3A_174 = arith.constant 0 : i32
      %dma_wait3A_175 = tpu.memref_slice %arg2[%add3A, %dma_wait3A_173, %dma_wait3A_174] : memref<32x8x120xi32, #tpu.memory_space<hbm>> -> memref<1x8x120xi32, #tpu.memory_space<hbm>>
      %dma_wait3A_176 = tpu.memref_squeeze %dma_wait3A_175 : memref<1x8x120xi32, #tpu.memory_space<hbm>> -> memref<8x120xi32, #tpu.memory_space<hbm>>
      tpu.wait_dma2 semaphore(%run_scoped3A : memref<!tpu.dma_semaphore, #tpu.memory_space<semaphore_mem>>) src(%dma_wait3A_176 : memref<8x120xi32, #tpu.memory_space<hbm>>) dst(%arg5 : memref<8x120xi32, #tpu.memory_space<vmem>>)
      tpu.yield
    }) : () -> ()
    %dma_start3A = arith.constant 0 : i32
    %dma_start3A_1 = arith.constant 0 : i32
    %dma_start3A_2 = arith.constant 0 : i32
    %dma_start3A_3 = tpu.memref_slice %arg6[%dma_start3A_1, %dma_start3A_2] : memref<960x128xf32, #tpu.memory_space<vmem>> -> memref<120x128xf32, #tpu.memory_space<vmem>>
    %dma_start3A_4 = arith.constant 0 : i32
    %dma_start3A_5 = tpu.memref_slice %arg5[%dma_start3A, %dma_start3A_4] : memref<8x120xi32, #tpu.memory_space<vmem>> -> memref<1x120xi32, #tpu.memory_space<vmem>>
    %dma_start3A_6 = tpu.memref_squeeze %dma_start3A_5 : memref<1x120xi32, #tpu.memory_space<vmem>> -> memref<120xi32, #tpu.memory_space<vmem>>
    %dma_start3A_7 = arith.constant 0 : i32
    %dma_start3A_8 = arith.constant 0 : i32
    %dma_start3A_9 = tpu.memref_slice %arg3[%dma_start3A_7, %dma_start3A_8] : memref<10000x128xf32, #tpu.memory_space<hbm>> -> memref<10000x128xf32, #tpu.memory_space<hbm>>
    tpu.enqueue_indirect_dma source(%dma_start3A_9 : memref<10000x128xf32, #tpu.memory_space<hbm>>) target(%dma_start3A_3 : memref<120x128xf32, #tpu.memory_space<vmem>>) offsets(%dma_start3A_6 : memref<120xi32, #tpu.memory_space<vmem>>) semaphore(%arg7 : memref<!tpu.dma_semaphore, #tpu.memory_space<semaphore_mem>>)
    %dma_start3A_10 = arith.constant 1 : i32
    %dma_start3A_11 = arith.constant 120 : i32
    %dma_start3A_12 = arith.constant 0 : i32
    %dma_start3A_13 = tpu.memref_slice %arg6[%dma_start3A_11, %dma_start3A_12] : memref<960x128xf32, #tpu.memory_space<vmem>> -> memref<120x128xf32, #tpu.memory_space<vmem>>
    %dma_start3A_14 = arith.constant 0 : i32
    %dma_start3A_15 = tpu.memref_slice %arg5[%dma_start3A_10, %dma_start3A_14] : memref<8x120xi32, #tpu.memory_space<vmem>> -> memref<1x120xi32, #tpu.memory_space<vmem>>
    %dma_start3A_16 = tpu.memref_squeeze %dma_start3A_15 : memref<1x120xi32, #tpu.memory_space<vmem>> -> memref<120xi32, #tpu.memory_space<vmem>>
    %dma_start3A_17 = arith.constant 0 : i32
    %dma_start3A_18 = arith.constant 0 : i32
    %dma_start3A_19 = tpu.memref_slice %arg3[%dma_start3A_17, %dma_start3A_18] : memref<10000x128xf32, #tpu.memory_space<hbm>> -> memref<10000x128xf32, #tpu.memory_space<hbm>>
    tpu.enqueue_indirect_dma source(%dma_start3A_19 : memref<10000x128xf32, #tpu.memory_space<hbm>>) target(%dma_start3A_13 : memref<120x128xf32, #tpu.memory_space<vmem>>) offsets(%dma_start3A_16 : memref<120xi32, #tpu.memory_space<vmem>>) semaphore(%arg7 : memref<!tpu.dma_semaphore, #tpu.memory_space<semaphore_mem>>)
    %dma_start3A_20 = arith.constant 2 : i32
    %dma_start3A_21 = arith.constant 240 : i32
    %dma_start3A_22 = arith.constant 0 : i32
    %dma_start3A_23 = tpu.memref_slice %arg6[%dma_start3A_21, %dma_start3A_22] : memref<960x128xf32, #tpu.memory_space<vmem>> -> memref<120x128xf32, #tpu.memory_space<vmem>>
    %dma_start3A_24 = arith.constant 0 : i32
    %dma_start3A_25 = tpu.memref_slice %arg5[%dma_start3A_20, %dma_start3A_24] : memref<8x120xi32, #tpu.memory_space<vmem>> -> memref<1x120xi32, #tpu.memory_space<vmem>>
    %dma_start3A_26 = tpu.memref_squeeze %dma_start3A_25 : memref<1x120xi32, #tpu.memory_space<vmem>> -> memref<120xi32, #tpu.memory_space<vmem>>
    %dma_start3A_27 = arith.constant 0 : i32
    %dma_start3A_28 = arith.constant 0 : i32
    %dma_start3A_29 = tpu.memref_slice %arg3[%dma_start3A_27, %dma_start3A_28] : memref<10000x128xf32, #tpu.memory_space<hbm>> -> memref<10000x128xf32, #tpu.memory_space<hbm>>
    tpu.enqueue_indirect_dma source(%dma_start3A_29 : memref<10000x128xf32, #tpu.memory_space<hbm>>) target(%dma_start3A_23 : memref<120x128xf32, #tpu.memory_space<vmem>>) offsets(%dma_start3A_26 : memref<120xi32, #tpu.memory_space<vmem>>) semaphore(%arg7 : memref<!tpu.dma_semaphore, #tpu.memory_space<semaphore_mem>>)
    %dma_start3A_30 = arith.constant 3 : i32
    %dma_start3A_31 = arith.constant 360 : i32
    %dma_start3A_32 = arith.constant 0 : i32
    %dma_start3A_33 = tpu.memref_slice %arg6[%dma_start3A_31, %dma_start3A_32] : memref<960x128xf32, #tpu.memory_space<vmem>> -> memref<120x128xf32, #tpu.memory_space<vmem>>
    %dma_start3A_34 = arith.constant 0 : i32
    %dma_start3A_35 = tpu.memref_slice %arg5[%dma_start3A_30, %dma_start3A_34] : memref<8x120xi32, #tpu.memory_space<vmem>> -> memref<1x120xi32, #tpu.memory_space<vmem>>
    %dma_start3A_36 = tpu.memref_squeeze %dma_start3A_35 : memref<1x120xi32, #tpu.memory_space<vmem>> -> memref<120xi32, #tpu.memory_space<vmem>>
    %dma_start3A_37 = arith.constant 0 : i32
    %dma_start3A_38 = arith.constant 0 : i32
    %dma_start3A_39 = tpu.memref_slice %arg3[%dma_start3A_37, %dma_start3A_38] : memref<10000x128xf32, #tpu.memory_space<hbm>> -> memref<10000x128xf32, #tpu.memory_space<hbm>>
    tpu.enqueue_indirect_dma source(%dma_start3A_39 : memref<10000x128xf32, #tpu.memory_space<hbm>>) target(%dma_start3A_33 : memref<120x128xf32, #tpu.memory_space<vmem>>) offsets(%dma_start3A_36 : memref<120xi32, #tpu.memory_space<vmem>>) semaphore(%arg7 : memref<!tpu.dma_semaphore, #tpu.memory_space<semaphore_mem>>)
    %dma_start3A_40 = arith.constant 4 : i32
    %dma_start3A_41 = arith.constant 480 : i32
    %dma_start3A_42 = arith.constant 0 : i32
    %dma_start3A_43 = tpu.memref_slice %arg6[%dma_start3A_41, %dma_start3A_42] : memref<960x128xf32, #tpu.memory_space<vmem>> -> memref<120x128xf32, #tpu.memory_space<vmem>>
    %dma_start3A_44 = arith.constant 0 : i32
    %dma_start3A_45 = tpu.memref_slice %arg5[%dma_start3A_40, %dma_start3A_44] : memref<8x120xi32, #tpu.memory_space<vmem>> -> memref<1x120xi32, #tpu.memory_space<vmem>>
    %dma_start3A_46 = tpu.memref_squeeze %dma_start3A_45 : memref<1x120xi32, #tpu.memory_space<vmem>> -> memref<120xi32, #tpu.memory_space<vmem>>
    %dma_start3A_47 = arith.constant 0 : i32
    %dma_start3A_48 = arith.constant 0 : i32
    %dma_start3A_49 = tpu.memref_slice %arg3[%dma_start3A_47, %dma_start3A_48] : memref<10000x128xf32, #tpu.memory_space<hbm>> -> memref<10000x128xf32, #tpu.memory_space<hbm>>
    tpu.enqueue_indirect_dma source(%dma_start3A_49 : memref<10000x128xf32, #tpu.memory_space<hbm>>) target(%dma_start3A_43 : memref<120x128xf32, #tpu.memory_space<vmem>>) offsets(%dma_start3A_46 : memref<120xi32, #tpu.memory_space<vmem>>) semaphore(%arg7 : memref<!tpu.dma_semaphore, #tpu.memory_space<semaphore_mem>>)
    %dma_start3A_50 = arith.constant 5 : i32
    %dma_start3A_51 = arith.constant 600 : i32
    %dma_start3A_52 = arith.constant 0 : i32
    %dma_start3A_53 = tpu.memref_slice %arg6[%dma_start3A_51, %dma_start3A_52] : memref<960x128xf32, #tpu.memory_space<vmem>> -> memref<120x128xf32, #tpu.memory_space<vmem>>
    %dma_start3A_54 = arith.constant 0 : i32
    %dma_start3A_55 = tpu.memref_slice %arg5[%dma_start3A_50, %dma_start3A_54] : memref<8x120xi32, #tpu.memory_space<vmem>> -> memref<1x120xi32, #tpu.memory_space<vmem>>
    %dma_start3A_56 = tpu.memref_squeeze %dma_start3A_55 : memref<1x120xi32, #tpu.memory_space<vmem>> -> memref<120xi32, #tpu.memory_space<vmem>>
    %dma_start3A_57 = arith.constant 0 : i32
    %dma_start3A_58 = arith.constant 0 : i32
    %dma_start3A_59 = tpu.memref_slice %arg3[%dma_start3A_57, %dma_start3A_58] : memref<10000x128xf32, #tpu.memory_space<hbm>> -> memref<10000x128xf32, #tpu.memory_space<hbm>>
    tpu.enqueue_indirect_dma source(%dma_start3A_59 : memref<10000x128xf32, #tpu.memory_space<hbm>>) target(%dma_start3A_53 : memref<120x128xf32, #tpu.memory_space<vmem>>) offsets(%dma_start3A_56 : memref<120xi32, #tpu.memory_space<vmem>>) semaphore(%arg7 : memref<!tpu.dma_semaphore, #tpu.memory_space<semaphore_mem>>)
    %dma_start3A_60 = arith.constant 6 : i32
    %dma_start3A_61 = arith.constant 720 : i32
    %dma_start3A_62 = arith.constant 0 : i32
    %dma_start3A_63 = tpu.memref_slice %arg6[%dma_start3A_61, %dma_start3A_62] : memref<960x128xf32, #tpu.memory_space<vmem>> -> memref<120x128xf32, #tpu.memory_space<vmem>>
    %dma_start3A_64 = arith.constant 0 : i32
    %dma_start3A_65 = tpu.memref_slice %arg5[%dma_start3A_60, %dma_start3A_64] : memref<8x120xi32, #tpu.memory_space<vmem>> -> memref<1x120xi32, #tpu.memory_space<vmem>>
    %dma_start3A_66 = tpu.memref_squeeze %dma_start3A_65 : memref<1x120xi32, #tpu.memory_space<vmem>> -> memref<120xi32, #tpu.memory_space<vmem>>
    %dma_start3A_67 = arith.constant 0 : i32
    %dma_start3A_68 = arith.constant 0 : i32
    %dma_start3A_69 = tpu.memref_slice %arg3[%dma_start3A_67, %dma_start3A_68] : memref<10000x128xf32, #tpu.memory_space<hbm>> -> memref<10000x128xf32, #tpu.memory_space<hbm>>
    tpu.enqueue_indirect_dma source(%dma_start3A_69 : memref<10000x128xf32, #tpu.memory_space<hbm>>) target(%dma_start3A_63 : memref<120x128xf32, #tpu.memory_space<vmem>>) offsets(%dma_start3A_66 : memref<120xi32, #tpu.memory_space<vmem>>) semaphore(%arg7 : memref<!tpu.dma_semaphore, #tpu.memory_space<semaphore_mem>>)
    %dma_start3A_70 = arith.constant 7 : i32
    %dma_start3A_71 = arith.constant 840 : i32
    %dma_start3A_72 = arith.constant 0 : i32
    %dma_start3A_73 = tpu.memref_slice %arg6[%dma_start3A_71, %dma_start3A_72] : memref<960x128xf32, #tpu.memory_space<vmem>> -> memref<120x128xf32, #tpu.memory_space<vmem>>
    %dma_start3A_74 = arith.constant 0 : i32
    %dma_start3A_75 = tpu.memref_slice %arg5[%dma_start3A_70, %dma_start3A_74] : memref<8x120xi32, #tpu.memory_space<vmem>> -> memref<1x120xi32, #tpu.memory_space<vmem>>
    %dma_start3A_76 = tpu.memref_squeeze %dma_start3A_75 : memref<1x120xi32, #tpu.memory_space<vmem>> -> memref<120xi32, #tpu.memory_space<vmem>>
    %dma_start3A_77 = arith.constant 0 : i32
    %dma_start3A_78 = arith.constant 0 : i32
    %dma_start3A_79 = tpu.memref_slice %arg3[%dma_start3A_77, %dma_start3A_78] : memref<10000x128xf32, #tpu.memory_space<hbm>> -> memref<10000x128xf32, #tpu.memory_space<hbm>>
    tpu.enqueue_indirect_dma source(%dma_start3A_79 : memref<10000x128xf32, #tpu.memory_space<hbm>>) target(%dma_start3A_73 : memref<120x128xf32, #tpu.memory_space<vmem>>) offsets(%dma_start3A_76 : memref<120xi32, #tpu.memory_space<vmem>>) semaphore(%arg7 : memref<!tpu.dma_semaphore, #tpu.memory_space<semaphore_mem>>)
    %dma_wait3A = arith.constant 0 : i32
    %dma_wait3A_80 = arith.constant 0 : i32
    %dma_wait3A_81 = arith.constant 0 : i32
    %dma_wait3A_82 = tpu.memref_slice %arg6[%dma_wait3A_80, %dma_wait3A_81] : memref<960x128xf32, #tpu.memory_space<vmem>> -> memref<120x128xf32, #tpu.memory_space<vmem>>
    %dma_wait3A_83 = arith.constant 0 : i32
    %dma_wait3A_84 = tpu.memref_slice %arg5[%dma_wait3A, %dma_wait3A_83] : memref<8x120xi32, #tpu.memory_space<vmem>> -> memref<1x120xi32, #tpu.memory_space<vmem>>
    %dma_wait3A_85 = tpu.memref_squeeze %dma_wait3A_84 : memref<1x120xi32, #tpu.memory_space<vmem>> -> memref<120xi32, #tpu.memory_space<vmem>>
    %dma_wait3A_86 = arith.constant 0 : i32
    %dma_wait3A_87 = arith.constant 0 : i32
    %dma_wait3A_88 = tpu.memref_slice %arg3[%dma_wait3A_86, %dma_wait3A_87] : memref<10000x128xf32, #tpu.memory_space<hbm>> -> memref<10000x128xf32, #tpu.memory_space<hbm>>
    tpu.wait_indirect_dma semaphore(%arg7 : memref<!tpu.dma_semaphore, #tpu.memory_space<semaphore_mem>>) src(%dma_wait3A_88 : memref<10000x128xf32, #tpu.memory_space<hbm>>) dst(%dma_wait3A_82 : memref<120x128xf32, #tpu.memory_space<vmem>>)
    %dma_wait3A_89 = arith.constant 1 : i32
    %dma_wait3A_90 = arith.constant 120 : i32
    %dma_wait3A_91 = arith.constant 0 : i32
    %dma_wait3A_92 = tpu.memref_slice %arg6[%dma_wait3A_90, %dma_wait3A_91] : memref<960x128xf32, #tpu.memory_space<vmem>> -> memref<120x128xf32, #tpu.memory_space<vmem>>
    %dma_wait3A_93 = arith.constant 0 : i32
    %dma_wait3A_94 = tpu.memref_slice %arg5[%dma_wait3A_89, %dma_wait3A_93] : memref<8x120xi32, #tpu.memory_space<vmem>> -> memref<1x120xi32, #tpu.memory_space<vmem>>
    %dma_wait3A_95 = tpu.memref_squeeze %dma_wait3A_94 : memref<1x120xi32, #tpu.memory_space<vmem>> -> memref<120xi32, #tpu.memory_space<vmem>>
    %dma_wait3A_96 = arith.constant 0 : i32
    %dma_wait3A_97 = arith.constant 0 : i32
    %dma_wait3A_98 = tpu.memref_slice %arg3[%dma_wait3A_96, %dma_wait3A_97] : memref<10000x128xf32, #tpu.memory_space<hbm>> -> memref<10000x128xf32, #tpu.memory_space<hbm>>
    tpu.wait_indirect_dma semaphore(%arg7 : memref<!tpu.dma_semaphore, #tpu.memory_space<semaphore_mem>>) src(%dma_wait3A_98 : memref<10000x128xf32, #tpu.memory_space<hbm>>) dst(%dma_wait3A_92 : memref<120x128xf32, #tpu.memory_space<vmem>>)
    %dma_wait3A_99 = arith.constant 2 : i32
    %dma_wait3A_100 = arith.constant 240 : i32
    %dma_wait3A_101 = arith.constant 0 : i32
    %dma_wait3A_102 = tpu.memref_slice %arg6[%dma_wait3A_100, %dma_wait3A_101] : memref<960x128xf32, #tpu.memory_space<vmem>> -> memref<120x128xf32, #tpu.memory_space<vmem>>
    %dma_wait3A_103 = arith.constant 0 : i32
    %dma_wait3A_104 = tpu.memref_slice %arg5[%dma_wait3A_99, %dma_wait3A_103] : memref<8x120xi32, #tpu.memory_space<vmem>> -> memref<1x120xi32, #tpu.memory_space<vmem>>
    %dma_wait3A_105 = tpu.memref_squeeze %dma_wait3A_104 : memref<1x120xi32, #tpu.memory_space<vmem>> -> memref<120xi32, #tpu.memory_space<vmem>>
    %dma_wait3A_106 = arith.constant 0 : i32
    %dma_wait3A_107 = arith.constant 0 : i32
    %dma_wait3A_108 = tpu.memref_slice %arg3[%dma_wait3A_106, %dma_wait3A_107] : memref<10000x128xf32, #tpu.memory_space<hbm>> -> memref<10000x128xf32, #tpu.memory_space<hbm>>
    tpu.wait_indirect_dma semaphore(%arg7 : memref<!tpu.dma_semaphore, #tpu.memory_space<semaphore_mem>>) src(%dma_wait3A_108 : memref<10000x128xf32, #tpu.memory_space<hbm>>) dst(%dma_wait3A_102 : memref<120x128xf32, #tpu.memory_space<vmem>>)
    %dma_wait3A_109 = arith.constant 3 : i32
    %dma_wait3A_110 = arith.constant 360 : i32
    %dma_wait3A_111 = arith.constant 0 : i32
    %dma_wait3A_112 = tpu.memref_slice %arg6[%dma_wait3A_110, %dma_wait3A_111] : memref<960x128xf32, #tpu.memory_space<vmem>> -> memref<120x128xf32, #tpu.memory_space<vmem>>
    %dma_wait3A_113 = arith.constant 0 : i32
    %dma_wait3A_114 = tpu.memref_slice %arg5[%dma_wait3A_109, %dma_wait3A_113] : memref<8x120xi32, #tpu.memory_space<vmem>> -> memref<1x120xi32, #tpu.memory_space<vmem>>
    %dma_wait3A_115 = tpu.memref_squeeze %dma_wait3A_114 : memref<1x120xi32, #tpu.memory_space<vmem>> -> memref<120xi32, #tpu.memory_space<vmem>>
    %dma_wait3A_116 = arith.constant 0 : i32
    %dma_wait3A_117 = arith.constant 0 : i32
    %dma_wait3A_118 = tpu.memref_slice %arg3[%dma_wait3A_116, %dma_wait3A_117] : memref<10000x128xf32, #tpu.memory_space<hbm>> -> memref<10000x128xf32, #tpu.memory_space<hbm>>
    tpu.wait_indirect_dma semaphore(%arg7 : memref<!tpu.dma_semaphore, #tpu.memory_space<semaphore_mem>>) src(%dma_wait3A_118 : memref<10000x128xf32, #tpu.memory_space<hbm>>) dst(%dma_wait3A_112 : memref<120x128xf32, #tpu.memory_space<vmem>>)
    %dma_wait3A_119 = arith.constant 4 : i32
    %dma_wait3A_120 = arith.constant 480 : i32
    %dma_wait3A_121 = arith.constant 0 : i32
    %dma_wait3A_122 = tpu.memref_slice %arg6[%dma_wait3A_120, %dma_wait3A_121] : memref<960x128xf32, #tpu.memory_space<vmem>> -> memref<120x128xf32, #tpu.memory_space<vmem>>
    %dma_wait3A_123 = arith.constant 0 : i32
    %dma_wait3A_124 = tpu.memref_slice %arg5[%dma_wait3A_119, %dma_wait3A_123] : memref<8x120xi32, #tpu.memory_space<vmem>> -> memref<1x120xi32, #tpu.memory_space<vmem>>
    %dma_wait3A_125 = tpu.memref_squeeze %dma_wait3A_124 : memref<1x120xi32, #tpu.memory_space<vmem>> -> memref<120xi32, #tpu.memory_space<vmem>>
    %dma_wait3A_126 = arith.constant 0 : i32
    %dma_wait3A_127 = arith.constant 0 : i32
    %dma_wait3A_128 = tpu.memref_slice %arg3[%dma_wait3A_126, %dma_wait3A_127] : memref<10000x128xf32, #tpu.memory_space<hbm>> -> memref<10000x128xf32, #tpu.memory_space<hbm>>
    tpu.wait_indirect_dma semaphore(%arg7 : memref<!tpu.dma_semaphore, #tpu.memory_space<semaphore_mem>>) src(%dma_wait3A_128 : memref<10000x128xf32, #tpu.memory_space<hbm>>) dst(%dma_wait3A_122 : memref<120x128xf32, #tpu.memory_space<vmem>>)
    %dma_wait3A_129 = arith.constant 5 : i32
    %dma_wait3A_130 = arith.constant 600 : i32
    %dma_wait3A_131 = arith.constant 0 : i32
    %dma_wait3A_132 = tpu.memref_slice %arg6[%dma_wait3A_130, %dma_wait3A_131] : memref<960x128xf32, #tpu.memory_space<vmem>> -> memref<120x128xf32, #tpu.memory_space<vmem>>
    %dma_wait3A_133 = arith.constant 0 : i32
    %dma_wait3A_134 = tpu.memref_slice %arg5[%dma_wait3A_129, %dma_wait3A_133] : memref<8x120xi32, #tpu.memory_space<vmem>> -> memref<1x120xi32, #tpu.memory_space<vmem>>
    %dma_wait3A_135 = tpu.memref_squeeze %dma_wait3A_134 : memref<1x120xi32, #tpu.memory_space<vmem>> -> memref<120xi32, #tpu.memory_space<vmem>>
    %dma_wait3A_136 = arith.constant 0 : i32
    %dma_wait3A_137 = arith.constant 0 : i32
    %dma_wait3A_138 = tpu.memref_slice %arg3[%dma_wait3A_136, %dma_wait3A_137] : memref<10000x128xf32, #tpu.memory_space<hbm>> -> memref<10000x128xf32, #tpu.memory_space<hbm>>
    tpu.wait_indirect_dma semaphore(%arg7 : memref<!tpu.dma_semaphore, #tpu.memory_space<semaphore_mem>>) src(%dma_wait3A_138 : memref<10000x128xf32, #tpu.memory_space<hbm>>) dst(%dma_wait3A_132 : memref<120x128xf32, #tpu.memory_space<vmem>>)
    %dma_wait3A_139 = arith.constant 6 : i32
    %dma_wait3A_140 = arith.constant 720 : i32
    %dma_wait3A_141 = arith.constant 0 : i32
    %dma_wait3A_142 = tpu.memref_slice %arg6[%dma_wait3A_140, %dma_wait3A_141] : memref<960x128xf32, #tpu.memory_space<vmem>> -> memref<120x128xf32, #tpu.memory_space<vmem>>
    %dma_wait3A_143 = arith.constant 0 : i32
    %dma_wait3A_144 = tpu.memref_slice %arg5[%dma_wait3A_139, %dma_wait3A_143] : memref<8x120xi32, #tpu.memory_space<vmem>> -> memref<1x120xi32, #tpu.memory_space<vmem>>
    %dma_wait3A_145 = tpu.memref_squeeze %dma_wait3A_144 : memref<1x120xi32, #tpu.memory_space<vmem>> -> memref<120xi32, #tpu.memory_space<vmem>>
    %dma_wait3A_146 = arith.constant 0 : i32
    %dma_wait3A_147 = arith.constant 0 : i32
    %dma_wait3A_148 = tpu.memref_slice %arg3[%dma_wait3A_146, %dma_wait3A_147] : memref<10000x128xf32, #tpu.memory_space<hbm>> -> memref<10000x128xf32, #tpu.memory_space<hbm>>
    tpu.wait_indirect_dma semaphore(%arg7 : memref<!tpu.dma_semaphore, #tpu.memory_space<semaphore_mem>>) src(%dma_wait3A_148 : memref<10000x128xf32, #tpu.memory_space<hbm>>) dst(%dma_wait3A_142 : memref<120x128xf32, #tpu.memory_space<vmem>>)
    %dma_wait3A_149 = arith.constant 7 : i32
    %dma_wait3A_150 = arith.constant 840 : i32
    %dma_wait3A_151 = arith.constant 0 : i32
    %dma_wait3A_152 = tpu.memref_slice %arg6[%dma_wait3A_150, %dma_wait3A_151] : memref<960x128xf32, #tpu.memory_space<vmem>> -> memref<120x128xf32, #tpu.memory_space<vmem>>
    %dma_wait3A_153 = arith.constant 0 : i32
    %dma_wait3A_154 = tpu.memref_slice %arg5[%dma_wait3A_149, %dma_wait3A_153] : memref<8x120xi32, #tpu.memory_space<vmem>> -> memref<1x120xi32, #tpu.memory_space<vmem>>
    %dma_wait3A_155 = tpu.memref_squeeze %dma_wait3A_154 : memref<1x120xi32, #tpu.memory_space<vmem>> -> memref<120xi32, #tpu.memory_space<vmem>>
    %dma_wait3A_156 = arith.constant 0 : i32
    %dma_wait3A_157 = arith.constant 0 : i32
    %dma_wait3A_158 = tpu.memref_slice %arg3[%dma_wait3A_156, %dma_wait3A_157] : memref<10000x128xf32, #tpu.memory_space<hbm>> -> memref<10000x128xf32, #tpu.memory_space<hbm>>
    tpu.wait_indirect_dma semaphore(%arg7 : memref<!tpu.dma_semaphore, #tpu.memory_space<semaphore_mem>>) src(%dma_wait3A_158 : memref<10000x128xf32, #tpu.memory_space<hbm>>) dst(%dma_wait3A_152 : memref<120x128xf32, #tpu.memory_space<vmem>>)
    %mul3A_159 = arith.constant 960 : i32
    %mul3A_160 = arith.muli %add3A, %mul3A_159 : i32
    "tpu.region"() ({
      %run_scoped3A = tpu.sem_alloc : memref<!tpu.dma_semaphore, #tpu.memory_space<semaphore_mem>>
      %dma_start3A_161 = arith.constant 0 : i32
      %dma_start3A_162 = tpu.memref_slice %arg4[%mul3A_160, %dma_start3A_161] : memref<30720x128xf32, #tpu.memory_space<hbm>> -> memref<960x128xf32, #tpu.memory_space<hbm>>
      %dma_start3A_163 = arith.constant 0 : i32
      %dma_start3A_164 = tpu.memref_slice %arg4[%mul3A_160, %dma_start3A_163] : memref<30720x128xf32, #tpu.memory_space<hbm>> -> memref<960x128xf32, #tpu.memory_space<hbm>>
      tpu.enqueue_dma source(%arg6 : memref<960x128xf32, #tpu.memory_space<vmem>>) target(%dma_start3A_164 : memref<960x128xf32, #tpu.memory_space<hbm>>) target_semaphore(%run_scoped3A : memref<!tpu.dma_semaphore, #tpu.memory_space<semaphore_mem>>)
      %dma_wait3A_165 = arith.constant 0 : i32
      %dma_wait3A_166 = tpu.memref_slice %arg4[%mul3A_160, %dma_wait3A_165] : memref<30720x128xf32, #tpu.memory_space<hbm>> -> memref<960x128xf32, #tpu.memory_space<hbm>>
      %dma_wait3A_167 = arith.constant 0 : i32
      %dma_wait3A_168 = tpu.memref_slice %arg4[%mul3A_160, %dma_wait3A_167] : memref<30720x128xf32, #tpu.memory_space<hbm>> -> memref<960x128xf32, #tpu.memory_space<hbm>>
      tpu.wait_dma2 semaphore(%run_scoped3A : memref<!tpu.dma_semaphore, #tpu.memory_space<semaphore_mem>>) src(%arg6 : memref<960x128xf32, #tpu.memory_space<vmem>>) dst(%dma_wait3A_168 : memref<960x128xf32, #tpu.memory_space<hbm>>)
      tpu.yield
    }) : () -> ()
    return
  }
}

module attributes {stable_mosaic.version = 14 : i64} {
  func.func @_fused_body(%arg0: i32, %arg1: i32, %arg2: memref<1024x1024xf32, #tpu.memory_space<vmem>>, %arg3: memref<1024x1024xf32, #tpu.memory_space<vmem>>, %arg4: memref<2048x128xf32, #tpu.memory_space<vmem>>, %arg5: memref<1x2048xi32, #tpu.memory_space<vmem>>, %arg6: memref<1x2048xi32, #tpu.memory_space<vmem>>, %arg7: memref<1024x128xf32, #tpu.memory_space<vmem>>, %arg8: memref<1024x8xi32, #tpu.memory_space<vmem>>, %arg9: memref<1024x128xf32, #tpu.memory_space<vmem>>, %arg10: memref<1024x32xf32, #tpu.memory_space<vmem>>) attributes {dimension_semantics = [#tpu.dimension_semantics<parallel>, #tpu.dimension_semantics<arbitrary>], iteration_bounds = array<i64: 10, 5>, scalar_prefetch = 0 : i64, scratch_operands = 2 : i64, tpu.core_type = #tpu.core_type<tc>, window_params = [{transform_indices = @transform_0, window_bounds = array<i64: 1024, 1024>}, {transform_indices = @transform_1, window_bounds = array<i64: 1024, 1024>}, {transform_indices = @transform_2, window_bounds = array<i64: 2048, 128>}, {transform_indices = @transform_3, window_bounds = array<i64: 1, 2048>}, {transform_indices = @transform_4, window_bounds = array<i64: 1, 2048>}, {transform_indices = @transform_5, window_bounds = array<i64: 1024, 128>}, {transform_indices = @transform_6, window_bounds = array<i64: 1024, 8>}]} {
    %eq3A = arith.constant 0 : i32
    %eq3A_0 = arith.cmpi eq, %arg1, %eq3A : i32
    %convert_element_type3A = arith.extui %eq3A_0 : i1 to i32
    %cond3A = arith.constant 0 : i32
    %cond3A_1 = arith.cmpi ne, %convert_element_type3A, %cond3A : i32
    scf.if %cond3A_1 {
      %broadcast_in_dim3A_151 = arith.constant 0.000000e+00 : f32
      %broadcast_in_dim3A_152 = vector.broadcast %broadcast_in_dim3A_151 : f32 to vector<1024x128xf32>
      %swap3A_153 = arith.constant 0 : index
      %swap3A_154 = arith.constant 0 : index
      %swap3A_155 = vector.load %arg9[%swap3A_153, %swap3A_154] : memref<1024x128xf32, #tpu.memory_space<vmem>>, vector<1024x128xf32>
      tpu.vector_store %arg9[%swap3A_153, %swap3A_154], %broadcast_in_dim3A_152 {strides = array<i32>} : memref<1024x128xf32, #tpu.memory_space<vmem>>, vector<1024x128xf32>,
      %broadcast_in_dim3A_156 = arith.constant 0xFF800000 : f32
      %broadcast_in_dim3A_157 = vector.broadcast %broadcast_in_dim3A_156 : f32 to vector<1024x32xf32>
      %swap3A_158 = arith.constant 0 : index
      %swap3A_159 = arith.constant 0 : index
      %swap3A_160 = vector.load %arg10[%swap3A_158, %swap3A_159] : memref<1024x32xf32, #tpu.memory_space<vmem>>, vector<1024x32xf32>
      tpu.vector_store %arg10[%swap3A_158, %swap3A_159], %broadcast_in_dim3A_157 {strides = array<i32>} : memref<1024x32xf32, #tpu.memory_space<vmem>>, vector<1024x32xf32>,
    } else {
    }
    %get3A = arith.constant 0 : index
    %get3A_2 = arith.constant 0 : index
    %get3A_3 = vector.load %arg5[%get3A, %get3A_2] : memref<1x2048xi32, #tpu.memory_space<vmem>>, vector<1x2048xi32>
    %get3A_4 = arith.constant 0 : index
    %get3A_5 = arith.constant 0 : index
    %get3A_6 = vector.load %arg6[%get3A_4, %get3A_5] : memref<1x2048xi32, #tpu.memory_space<vmem>>, vector<1x2048xi32>
    %slice3A = vector.extract_strided_slice %get3A_3 {offsets = [0, 0], sizes = [1, 1024], strides = [1, 1]} : vector<1x2048xi32> to vector<1x1024xi32>
    %lt3A = arith.constant 0 : i32
    %lt3A_7 = vector.broadcast %lt3A : i32 to vector<1x1024xi32>
    %lt3A_8 = arith.cmpi slt, %slice3A, %lt3A_7 : vector<1x1024xi32>
    %get3A_9 = arith.constant 0 : index
    %get3A_10 = arith.constant 0 : index
    %get3A_11 = vector.load %arg2[%get3A_9, %get3A_10] : memref<1024x1024xf32, #tpu.memory_space<vmem>>, vector<1024x1024xf32>
    %jit3A = arith.constant 0.000000e+00 : f32
    %broadcast_in_dim3A = vector.shape_cast %lt3A_8 : vector<1x1024xi1> to vector<1x1024xi1>
    %broadcast_in_dim3A_12 = vector.broadcast %broadcast_in_dim3A : vector<1x1024xi1> to vector<1024x1024xi1>
    %broadcast_in_dim3A_13 = vector.broadcast %jit3A : f32 to vector<1024x1024xf32>
    %select_n3A = arith.select %broadcast_in_dim3A_12, %get3A_11, %broadcast_in_dim3A_13 : vector<1024x1024xi1>, vector<1024x1024xf32>
    %slice3A_14 = vector.extract_strided_slice %get3A_3 {offsets = [0, 1024], sizes = [1, 1024], strides = [1, 1]} : vector<1x2048xi32> to vector<1x1024xi32>
    %lt3A_15 = arith.constant 0 : i32
    %lt3A_16 = vector.broadcast %lt3A_15 : i32 to vector<1x1024xi32>
    %lt3A_17 = arith.cmpi slt, %slice3A_14, %lt3A_16 : vector<1x1024xi32>
    %get3A_18 = arith.constant 0 : index
    %get3A_19 = arith.constant 0 : index
    %get3A_20 = vector.load %arg3[%get3A_18, %get3A_19] : memref<1024x1024xf32, #tpu.memory_space<vmem>>, vector<1024x1024xf32>
    %jit3A_21 = arith.constant 0.000000e+00 : f32
    %broadcast_in_dim3A_22 = vector.shape_cast %lt3A_17 : vector<1x1024xi1> to vector<1x1024xi1>
    %broadcast_in_dim3A_23 = vector.broadcast %broadcast_in_dim3A_22 : vector<1x1024xi1> to vector<1024x1024xi1>
    %broadcast_in_dim3A_24 = vector.broadcast %jit3A_21 : f32 to vector<1024x1024xf32>
    %select_n3A_25 = arith.select %broadcast_in_dim3A_23, %get3A_20, %broadcast_in_dim3A_24 : vector<1024x1024xi1>, vector<1024x1024xf32>
    %get3A_26 = arith.constant 0 : index
    %get3A_27 = arith.constant 0 : index
    %get3A_28 = vector.load %arg9[%get3A_26, %get3A_27] : memref<1024x128xf32, #tpu.memory_space<vmem>>, vector<1024x128xf32>
    %get3A_29 = arith.constant 0 : index
    %get3A_30 = arith.constant 0 : index
    %get3A_31 = vector.load %arg4[%get3A_29, %get3A_30] : memref<2048x128xf32, #tpu.memory_space<vmem>>, vector<1024x128xf32>
    %dot_general3A = arith.constant dense<0.000000e+00> : vector<1024x128xf32>
    %dot_general3A_32 = tpu.matmul %select_n3A, %get3A_31, %dot_general3A {dimension_numbers = #tpu.dot_dimension_numbers<[1], [0], [0], [1], [0, 0, 1, 1], [], []>, transpose_lhs_hint = false} : vector<1024x1024xf32>, vector<1024x128xf32>, vector<1024x128xf32> -> vector<1024x128xf32>
    %get3A_33 = arith.constant 1024 : index
    %get3A_34 = arith.constant 0 : index
    %get3A_35 = vector.load %arg4[%get3A_33, %get3A_34] : memref<2048x128xf32, #tpu.memory_space<vmem>>, vector<1024x128xf32>
    %dot_general3A_36 = arith.constant dense<0.000000e+00> : vector<1024x128xf32>
    %dot_general3A_37 = tpu.matmul %select_n3A_25, %get3A_35, %dot_general3A_36 {dimension_numbers = #tpu.dot_dimension_numbers<[1], [0], [0], [1], [0, 0, 1, 1], [], []>, transpose_lhs_hint = false} : vector<1024x1024xf32>, vector<1024x128xf32>, vector<1024x128xf32> -> vector<1024x128xf32>
    %add3A = arith.addf %dot_general3A_32, %dot_general3A_37 : vector<1024x128xf32>
    %add3A_38 = arith.addf %get3A_28, %add3A : vector<1024x128xf32>
    %swap3A = arith.constant 0 : index
    %swap3A_39 = arith.constant 0 : index
    %swap3A_40 = vector.load %arg9[%swap3A, %swap3A_39] : memref<1024x128xf32, #tpu.memory_space<vmem>>, vector<1024x128xf32>
    tpu.vector_store %arg9[%swap3A, %swap3A_39], %add3A_38 {strides = array<i32>} : memref<1024x128xf32, #tpu.memory_space<vmem>>, vector<1024x128xf32>,
    %get3A_41 = arith.constant 0 : index
    %get3A_42 = arith.constant 0 : index
    %get3A_43 = vector.load %arg2[%get3A_41, %get3A_42] : memref<1024x1024xf32, #tpu.memory_space<vmem>>, vector<1024x1024xf32>
    %bitcast_convert_type3A = tpu.bitcast %get3A_43 : vector<1024x1024xf32> -> vector<1024x1024xi32>
    %slice3A_44 = vector.extract_strided_slice %get3A_3 {offsets = [0, 0], sizes = [1, 1024], strides = [1, 1]} : vector<1x2048xi32> to vector<1x1024xi32>
    %and3A = vector.broadcast %slice3A_44 : vector<1x1024xi32> to vector<1024x1024xi32>
    %and3A_45 = arith.andi %bitcast_convert_type3A, %and3A : vector<1024x1024xi32>
    %slice3A_46 = vector.extract_strided_slice %get3A_6 {offsets = [0, 0], sizes = [1, 1024], strides = [1, 1]} : vector<1x2048xi32> to vector<1x1024xi32>
    %or3A = vector.broadcast %slice3A_46 : vector<1x1024xi32> to vector<1024x1024xi32>
    %or3A_47 = arith.ori %and3A_45, %or3A : vector<1024x1024xi32>
    %bitcast_convert_type3A_48 = tpu.bitcast %or3A_47 : vector<1024x1024xi32> -> vector<1024x1024xf32>
    %reduce_max3A = arith.constant dense<0xFF800000> : vector<1024xf32>
    %reduce_max3A_49 = vector.multi_reduction <maximumf>, %bitcast_convert_type3A_48, %reduce_max3A [1] : vector<1024x1024xf32> to vector<1024xf32>
    %broadcast_in_dim3A_50 = vector.shape_cast %reduce_max3A_49 : vector<1024xf32> to vector<1024x1xf32>
    %eq3A_51 = vector.broadcast %broadcast_in_dim3A_50 : vector<1024x1xf32> to vector<1024x1024xf32>
    %eq3A_52 = arith.cmpf oeq, %bitcast_convert_type3A_48, %eq3A_51 : vector<1024x1024xf32>
    %jit3A_53 = arith.constant 0xFF800000 : f32
    %broadcast_in_dim3A_54 = vector.broadcast %jit3A_53 : f32 to vector<1024x1024xf32>
    %select_n3A_55 = arith.select %eq3A_52, %broadcast_in_dim3A_54, %bitcast_convert_type3A_48 : vector<1024x1024xi1>, vector<1024x1024xf32>
    %reduce_max3A_56 = arith.constant dense<0xFF800000> : vector<1024xf32>
    %reduce_max3A_57 = vector.multi_reduction <maximumf>, %select_n3A_55, %reduce_max3A_56 [1] : vector<1024x1024xf32> to vector<1024xf32>
    %broadcast_in_dim3A_58 = vector.shape_cast %reduce_max3A_57 : vector<1024xf32> to vector<1024x1xf32>
    %eq3A_59 = vector.broadcast %broadcast_in_dim3A_58 : vector<1024x1xf32> to vector<1024x1024xf32>
    %eq3A_60 = arith.cmpf oeq, %select_n3A_55, %eq3A_59 : vector<1024x1024xf32>
    %jit3A_61 = arith.constant 0xFF800000 : f32
    %broadcast_in_dim3A_62 = vector.broadcast %jit3A_61 : f32 to vector<1024x1024xf32>
    %select_n3A_63 = arith.select %eq3A_60, %broadcast_in_dim3A_62, %select_n3A_55 : vector<1024x1024xi1>, vector<1024x1024xf32>
    %reduce_max3A_64 = arith.constant dense<0xFF800000> : vector<1024xf32>
    %reduce_max3A_65 = vector.multi_reduction <maximumf>, %select_n3A_63, %reduce_max3A_64 [1] : vector<1024x1024xf32> to vector<1024xf32>
    %broadcast_in_dim3A_66 = vector.shape_cast %reduce_max3A_65 : vector<1024xf32> to vector<1024x1xf32>
    %get3A_67 = arith.constant 0 : index
    %get3A_68 = arith.constant 0 : index
    %get3A_69 = vector.load %arg3[%get3A_67, %get3A_68] : memref<1024x1024xf32, #tpu.memory_space<vmem>>, vector<1024x1024xf32>
    %bitcast_convert_type3A_70 = tpu.bitcast %get3A_69 : vector<1024x1024xf32> -> vector<1024x1024xi32>
    %slice3A_71 = vector.extract_strided_slice %get3A_3 {offsets = [0, 1024], sizes = [1, 1024], strides = [1, 1]} : vector<1x2048xi32> to vector<1x1024xi32>
    %and3A_72 = vector.broadcast %slice3A_71 : vector<1x1024xi32> to vector<1024x1024xi32>
    %and3A_73 = arith.andi %bitcast_convert_type3A_70, %and3A_72 : vector<1024x1024xi32>
    %slice3A_74 = vector.extract_strided_slice %get3A_6 {offsets = [0, 1024], sizes = [1, 1024], strides = [1, 1]} : vector<1x2048xi32> to vector<1x1024xi32>
    %or3A_75 = vector.broadcast %slice3A_74 : vector<1x1024xi32> to vector<1024x1024xi32>
    %or3A_76 = arith.ori %and3A_73, %or3A_75 : vector<1024x1024xi32>
    %bitcast_convert_type3A_77 = tpu.bitcast %or3A_76 : vector<1024x1024xi32> -> vector<1024x1024xf32>
    %reduce_max3A_78 = arith.constant dense<0xFF800000> : vector<1024xf32>
    %reduce_max3A_79 = vector.multi_reduction <maximumf>, %bitcast_convert_type3A_77, %reduce_max3A_78 [1] : vector<1024x1024xf32> to vector<1024xf32>
    %broadcast_in_dim3A_80 = vector.shape_cast %reduce_max3A_79 : vector<1024xf32> to vector<1024x1xf32>
    %eq3A_81 = vector.broadcast %broadcast_in_dim3A_80 : vector<1024x1xf32> to vector<1024x1024xf32>
    %eq3A_82 = arith.cmpf oeq, %bitcast_convert_type3A_77, %eq3A_81 : vector<1024x1024xf32>
    %jit3A_83 = arith.constant 0xFF800000 : f32
    %broadcast_in_dim3A_84 = vector.broadcast %jit3A_83 : f32 to vector<1024x1024xf32>
    %select_n3A_85 = arith.select %eq3A_82, %broadcast_in_dim3A_84, %bitcast_convert_type3A_77 : vector<1024x1024xi1>, vector<1024x1024xf32>
    %reduce_max3A_86 = arith.constant dense<0xFF800000> : vector<1024xf32>
    %reduce_max3A_87 = vector.multi_reduction <maximumf>, %select_n3A_85, %reduce_max3A_86 [1] : vector<1024x1024xf32> to vector<1024xf32>
    %broadcast_in_dim3A_88 = vector.shape_cast %reduce_max3A_87 : vector<1024xf32> to vector<1024x1xf32>
    %eq3A_89 = vector.broadcast %broadcast_in_dim3A_88 : vector<1024x1xf32> to vector<1024x1024xf32>
    %eq3A_90 = arith.cmpf oeq, %select_n3A_85, %eq3A_89 : vector<1024x1024xf32>
    %jit3A_91 = arith.constant 0xFF800000 : f32
    %broadcast_in_dim3A_92 = vector.broadcast %jit3A_91 : f32 to vector<1024x1024xf32>
    %select_n3A_93 = arith.select %eq3A_90, %broadcast_in_dim3A_92, %select_n3A_85 : vector<1024x1024xi1>, vector<1024x1024xf32>
    %reduce_max3A_94 = arith.constant dense<0xFF800000> : vector<1024xf32>
    %reduce_max3A_95 = vector.multi_reduction <maximumf>, %select_n3A_93, %reduce_max3A_94 [1] : vector<1024x1024xf32> to vector<1024xf32>
    %broadcast_in_dim3A_96 = vector.shape_cast %reduce_max3A_95 : vector<1024xf32> to vector<1024x1xf32>
    %iota3A = tpu.iota {dimensions = array<i32: 1>} : vector<1024x32xi32>
    %mul3A = arith.constant 6 : i32
    %mul3A_97 = arith.muli %mul3A, %arg1 : i32
    %get3A_98 = arith.constant 0 : index
    %get3A_99 = arith.constant 0 : index
    %get3A_100 = vector.load %arg10[%get3A_98, %get3A_99] : memref<1024x32xf32, #tpu.memory_space<vmem>>, vector<1024x32xf32>
    %add3A_101 = arith.constant 0 : i32
    %add3A_102 = arith.addi %mul3A_97, %add3A_101 : i32
    %eq3A_103 = vector.broadcast %add3A_102 : i32 to vector<1024x32xi32>
    %eq3A_104 = arith.cmpi eq, %iota3A, %eq3A_103 : vector<1024x32xi32>
    %broadcast_in_dim3A_105 = vector.shape_cast %broadcast_in_dim3A_50 : vector<1024x1xf32> to vector<1024x1xf32>
    %broadcast_in_dim3A_106 = vector.broadcast %broadcast_in_dim3A_105 : vector<1024x1xf32> to vector<1024x32xf32>
    %select_n3A_107 = arith.select %eq3A_104, %broadcast_in_dim3A_106, %get3A_100 : vector<1024x32xi1>, vector<1024x32xf32>
    %add3A_108 = arith.constant 1 : i32
    %add3A_109 = arith.addi %mul3A_97, %add3A_108 : i32
    %eq3A_110 = vector.broadcast %add3A_109 : i32 to vector<1024x32xi32>
    %eq3A_111 = arith.cmpi eq, %iota3A, %eq3A_110 : vector<1024x32xi32>
    %broadcast_in_dim3A_112 = vector.shape_cast %broadcast_in_dim3A_58 : vector<1024x1xf32> to vector<1024x1xf32>
    %broadcast_in_dim3A_113 = vector.broadcast %broadcast_in_dim3A_112 : vector<1024x1xf32> to vector<1024x32xf32>
    %select_n3A_114 = arith.select %eq3A_111, %broadcast_in_dim3A_113, %select_n3A_107 : vector<1024x32xi1>, vector<1024x32xf32>
    %add3A_115 = arith.constant 2 : i32
    %add3A_116 = arith.addi %mul3A_97, %add3A_115 : i32
    %eq3A_117 = vector.broadcast %add3A_116 : i32 to vector<1024x32xi32>
    %eq3A_118 = arith.cmpi eq, %iota3A, %eq3A_117 : vector<1024x32xi32>
    %broadcast_in_dim3A_119 = vector.shape_cast %broadcast_in_dim3A_66 : vector<1024x1xf32> to vector<1024x1xf32>
    %broadcast_in_dim3A_120 = vector.broadcast %broadcast_in_dim3A_119 : vector<1024x1xf32> to vector<1024x32xf32>
    %select_n3A_121 = arith.select %eq3A_118, %broadcast_in_dim3A_120, %select_n3A_114 : vector<1024x32xi1>, vector<1024x32xf32>
    %add3A_122 = arith.constant 3 : i32
    %add3A_123 = arith.addi %mul3A_97, %add3A_122 : i32
    %eq3A_124 = vector.broadcast %add3A_123 : i32 to vector<1024x32xi32>
    %eq3A_125 = arith.cmpi eq, %iota3A, %eq3A_124 : vector<1024x32xi32>
    %broadcast_in_dim3A_126 = vector.shape_cast %broadcast_in_dim3A_80 : vector<1024x1xf32> to vector<1024x1xf32>
    %broadcast_in_dim3A_127 = vector.broadcast %broadcast_in_dim3A_126 : vector<1024x1xf32> to vector<1024x32xf32>
    %select_n3A_128 = arith.select %eq3A_125, %broadcast_in_dim3A_127, %select_n3A_121 : vector<1024x32xi1>, vector<1024x32xf32>
    %add3A_129 = arith.constant 4 : i32
    %add3A_130 = arith.addi %mul3A_97, %add3A_129 : i32
    %eq3A_131 = vector.broadcast %add3A_130 : i32 to vector<1024x32xi32>
    %eq3A_132 = arith.cmpi eq, %iota3A, %eq3A_131 : vector<1024x32xi32>
    %broadcast_in_dim3A_133 = vector.shape_cast %broadcast_in_dim3A_88 : vector<1024x1xf32> to vector<1024x1xf32>
    %broadcast_in_dim3A_134 = vector.broadcast %broadcast_in_dim3A_133 : vector<1024x1xf32> to vector<1024x32xf32>
    %select_n3A_135 = arith.select %eq3A_132, %broadcast_in_dim3A_134, %select_n3A_128 : vector<1024x32xi1>, vector<1024x32xf32>
    %add3A_136 = arith.constant 5 : i32
    %add3A_137 = arith.addi %mul3A_97, %add3A_136 : i32
    %eq3A_138 = vector.broadcast %add3A_137 : i32 to vector<1024x32xi32>
    %eq3A_139 = arith.cmpi eq, %iota3A, %eq3A_138 : vector<1024x32xi32>
    %broadcast_in_dim3A_140 = vector.shape_cast %broadcast_in_dim3A_96 : vector<1024x1xf32> to vector<1024x1xf32>
    %broadcast_in_dim3A_141 = vector.broadcast %broadcast_in_dim3A_140 : vector<1024x1xf32> to vector<1024x32xf32>
    %select_n3A_142 = arith.select %eq3A_139, %broadcast_in_dim3A_141, %select_n3A_135 : vector<1024x32xi1>, vector<1024x32xf32>
    %swap3A_143 = arith.constant 0 : index
    %swap3A_144 = arith.constant 0 : index
    %swap3A_145 = vector.load %arg10[%swap3A_143, %swap3A_144] : memref<1024x32xf32, #tpu.memory_space<vmem>>, vector<1024x32xf32>
    tpu.vector_store %arg10[%swap3A_143, %swap3A_144], %select_n3A_142 {strides = array<i32>} : memref<1024x32xf32, #tpu.memory_space<vmem>>, vector<1024x32xf32>,
    %eq3A_146 = arith.constant 4 : i32
    %eq3A_147 = arith.cmpi eq, %arg1, %eq3A_146 : i32
    %convert_element_type3A_148 = arith.extui %eq3A_147 : i1 to i32
    %cond3A_149 = arith.constant 0 : i32
    %cond3A_150 = arith.cmpi ne, %convert_element_type3A_148, %cond3A_149 : i32
    scf.if %cond3A_150 {
      %get3A_151 = arith.constant 0 : index
      %get3A_152 = arith.constant 0 : index
      %get3A_153 = vector.load %arg9[%get3A_151, %get3A_152] : memref<1024x128xf32, #tpu.memory_space<vmem>>, vector<1024x128xf32>
      %swap3A_154 = arith.constant 0 : index
      %swap3A_155 = arith.constant 0 : index
      %swap3A_156 = vector.load %arg7[%swap3A_154, %swap3A_155] : memref<1024x128xf32, #tpu.memory_space<vmem>>, vector<1024x128xf32>
      tpu.vector_store %arg7[%swap3A_154, %swap3A_155], %get3A_153 {strides = array<i32>} : memref<1024x128xf32, #tpu.memory_space<vmem>>, vector<1024x128xf32>,
      %get3A_157 = arith.constant 0 : index
      %get3A_158 = arith.constant 0 : index
      %get3A_159 = vector.load %arg10[%get3A_157, %get3A_158] : memref<1024x32xf32, #tpu.memory_space<vmem>>, vector<1024x32xf32>
      %reduce_max3A_160 = arith.constant dense<0xFF800000> : vector<1024xf32>
      %reduce_max3A_161 = vector.multi_reduction <maximumf>, %get3A_159, %reduce_max3A_160 [1] : vector<1024x32xf32> to vector<1024xf32>
      %broadcast_in_dim3A_162 = vector.shape_cast %reduce_max3A_161 : vector<1024xf32> to vector<1024x1xf32>
      %bitcast_convert_type3A_163 = tpu.bitcast %broadcast_in_dim3A_162 : vector<1024x1xf32> -> vector<1024x1xi32>
      %and3A_164 = arith.constant 16383 : i32
      %and3A_165 = vector.broadcast %and3A_164 : i32 to vector<1024x1xi32>
      %and3A_166 = arith.andi %bitcast_convert_type3A_163, %and3A_165 : vector<1024x1xi32>
      %xor3A = arith.constant 16383 : i32
      %xor3A_167 = vector.broadcast %xor3A : i32 to vector<1024x1xi32>
      %xor3A_168 = arith.xori %and3A_166, %xor3A_167 : vector<1024x1xi32>
      %eq3A_169 = vector.broadcast %broadcast_in_dim3A_162 : vector<1024x1xf32> to vector<1024x32xf32>
      %eq3A_170 = arith.cmpf oeq, %get3A_159, %eq3A_169 : vector<1024x32xf32>
      %jit3A_171 = arith.constant 0xFF800000 : f32
      %broadcast_in_dim3A_172 = vector.broadcast %jit3A_171 : f32 to vector<1024x32xf32>
      %select_n3A_173 = arith.select %eq3A_170, %broadcast_in_dim3A_172, %get3A_159 : vector<1024x32xi1>, vector<1024x32xf32>
      %reduce_max3A_174 = arith.constant dense<0xFF800000> : vector<1024xf32>
      %reduce_max3A_175 = vector.multi_reduction <maximumf>, %select_n3A_173, %reduce_max3A_174 [1] : vector<1024x32xf32> to vector<1024xf32>
      %broadcast_in_dim3A_176 = vector.shape_cast %reduce_max3A_175 : vector<1024xf32> to vector<1024x1xf32>
      %bitcast_convert_type3A_177 = tpu.bitcast %broadcast_in_dim3A_176 : vector<1024x1xf32> -> vector<1024x1xi32>
      %and3A_178 = arith.constant 16383 : i32
      %and3A_179 = vector.broadcast %and3A_178 : i32 to vector<1024x1xi32>
      %and3A_180 = arith.andi %bitcast_convert_type3A_177, %and3A_179 : vector<1024x1xi32>
      %xor3A_181 = arith.constant 16383 : i32
      %xor3A_182 = vector.broadcast %xor3A_181 : i32 to vector<1024x1xi32>
      %xor3A_183 = arith.xori %and3A_180, %xor3A_182 : vector<1024x1xi32>
      %eq3A_184 = vector.broadcast %broadcast_in_dim3A_176 : vector<1024x1xf32> to vector<1024x32xf32>
      %eq3A_185 = arith.cmpf oeq, %select_n3A_173, %eq3A_184 : vector<1024x32xf32>
      %jit3A_186 = arith.constant 0xFF800000 : f32
      %broadcast_in_dim3A_187 = vector.broadcast %jit3A_186 : f32 to vector<1024x32xf32>
      %select_n3A_188 = arith.select %eq3A_185, %broadcast_in_dim3A_187, %select_n3A_173 : vector<1024x32xi1>, vector<1024x32xf32>
      %reduce_max3A_189 = arith.constant dense<0xFF800000> : vector<1024xf32>
      %reduce_max3A_190 = vector.multi_reduction <maximumf>, %select_n3A_188, %reduce_max3A_189 [1] : vector<1024x32xf32> to vector<1024xf32>
      %broadcast_in_dim3A_191 = vector.shape_cast %reduce_max3A_190 : vector<1024xf32> to vector<1024x1xf32>
      %bitcast_convert_type3A_192 = tpu.bitcast %broadcast_in_dim3A_191 : vector<1024x1xf32> -> vector<1024x1xi32>
      %and3A_193 = arith.constant 16383 : i32
      %and3A_194 = vector.broadcast %and3A_193 : i32 to vector<1024x1xi32>
      %and3A_195 = arith.andi %bitcast_convert_type3A_192, %and3A_194 : vector<1024x1xi32>
      %xor3A_196 = arith.constant 16383 : i32
      %xor3A_197 = vector.broadcast %xor3A_196 : i32 to vector<1024x1xi32>
      %xor3A_198 = arith.xori %and3A_195, %xor3A_197 : vector<1024x1xi32>
      %broadcast_in_dim3A_199 = arith.constant 0 : i32
      %broadcast_in_dim3A_200 = vector.broadcast %broadcast_in_dim3A_199 : i32 to vector<1024x5xi32>
      %concatenate3A = tpu.concatenate %xor3A_168, %xor3A_183, %xor3A_198, %broadcast_in_dim3A_200 in 1 : vector<1024x1xi32>, vector<1024x1xi32>, vector<1024x1xi32>, vector<1024x5xi32> -> vector<1024x8xi32>
      %swap3A_201 = arith.constant 0 : index
      %swap3A_202 = arith.constant 0 : index
      %swap3A_203 = vector.load %arg8[%swap3A_201, %swap3A_202] : memref<1024x8xi32, #tpu.memory_space<vmem>>, vector<1024x8xi32>
      tpu.vector_store %arg8[%swap3A_201, %swap3A_202], %concatenate3A {strides = array<i32>} : memref<1024x8xi32, #tpu.memory_space<vmem>>, vector<1024x8xi32>,
    } else {
    }
    return
  }
  func.func @transform_0(%arg0: i32, %arg1: i32) -> (i32, i32) {
    %mul3A = arith.constant 2 : i32
    %mul3A_0 = arith.muli %mul3A, %arg1 : i32
    %c0_i32 = arith.constant 0 : i32
    return %arg0, %mul3A_0 : i32, i32
  }
  func.func @transform_1(%arg0: i32, %arg1: i32) -> (i32, i32) {
    %mul3A = arith.constant 2 : i32
    %mul3A_0 = arith.muli %mul3A, %arg1 : i32
    %add3A = arith.constant 1 : i32
    %add3A_1 = arith.addi %mul3A_0, %add3A : i32
    %c0_i32 = arith.constant 0 : i32
    return %arg0, %add3A_1 : i32, i32
  }
  func.func @transform_2(%arg0: i32, %arg1: i32) -> (i32, i32) {
    %c0_i32 = arith.constant 0 : i32
    %c0_i32_0 = arith.constant 0 : i32
    return %arg1, %c0_i32 : i32, i32
  }
  func.func @transform_3(%arg0: i32, %arg1: i32) -> (i32, i32) {
    %c0_i32 = arith.constant 0 : i32
    %c0_i32_0 = arith.constant 0 : i32
    return %c0_i32, %arg1 : i32, i32
  }
  func.func @transform_4(%arg0: i32, %arg1: i32) -> (i32, i32) {
    %c0_i32 = arith.constant 0 : i32
    %c0_i32_0 = arith.constant 0 : i32
    return %c0_i32, %arg1 : i32, i32
  }
  func.func @transform_5(%arg0: i32, %arg1: i32) -> (i32, i32) {
    %c0_i32 = arith.constant 0 : i32
    %c0_i32_0 = arith.constant 0 : i32
    return %arg0, %c0_i32 : i32, i32
  }
  func.func @transform_6(%arg0: i32, %arg1: i32) -> (i32, i32) {
    %c0_i32 = arith.constant 0 : i32
    %c0_i32_0 = arith.constant 0 : i32
    return %arg0, %c0_i32 : i32, i32
  }
}

module attributes {stable_mosaic.version = 14 : i64} {
  func.func @_epilogue_body(%arg0: i32, %arg1: memref<4xf32, #tpu.memory_space<smem>>, %arg2: memref<512x128xf32, #tpu.memory_space<vmem>>, %arg3: memref<512x128xf32, #tpu.memory_space<vmem>>, %arg4: memref<512x128xf32, #tpu.memory_space<vmem>>, %arg5: memref<512x128xf32, #tpu.memory_space<vmem>>, %arg6: memref<512x128xf32, #tpu.memory_space<vmem>>, %arg7: memref<512x128xf32, #tpu.memory_space<vmem>>, %arg8: memref<256x128xf32, #tpu.memory_space<vmem>>, %arg9: memref<512x128xf32, #tpu.memory_space<vmem>>) attributes {dimension_semantics = [#tpu.dimension_semantics<arbitrary>], iteration_bounds = array<i64: 20>, scalar_prefetch = 0 : i64, scratch_operands = 0 : i64, tpu.core_type = #tpu.core_type<tc>, window_params = [{transform_indices = @transform_0, window_bounds = array<i64: 4>}, {transform_indices = @transform_1, window_bounds = array<i64: 512, 128>}, {transform_indices = @transform_2, window_bounds = array<i64: 512, 128>}, {transform_indices = @transform_3, window_bounds = array<i64: 512, 128>}, {transform_indices = @transform_4, window_bounds = array<i64: 512, 128>}, {transform_indices = @transform_5, window_bounds = array<i64: 512, 128>}, {transform_indices = @transform_6, window_bounds = array<i64: 512, 128>}, {pipeline_mode = #tpu.pipeline_mode<synchronous>, transform_indices = @transform_7, window_bounds = array<i64: 256, 128>}, {transform_indices = @transform_8, window_bounds = array<i64: 512, 128>}]} {
    %get3A = arith.constant 0 : index
    %get3A_0 = arith.constant 0 : index
    %get3A_1 = vector.load %arg8[%get3A, %get3A_0] : memref<256x128xf32, #tpu.memory_space<vmem>>, vector<256x128xf32>
    %get3A_2 = arith.constant 0 : index
    %get3A_3 = arith.constant 0 : index
    %get3A_4 = vector.load %arg2[%get3A_2, %get3A_3] : memref<512x128xf32, #tpu.memory_space<vmem>>, vector<512x128xf32>
    %slice3A = vector.extract_strided_slice %get3A_1 {offsets = [0, 0], sizes = [128, 128], strides = [1, 1]} : vector<256x128xf32> to vector<128x128xf32>
    %dot_general3A = arith.constant dense<0.000000e+00> : vector<512x128xf32>
    %dot_general3A_5 = tpu.matmul %get3A_4, %slice3A, %dot_general3A {dimension_numbers = #tpu.dot_dimension_numbers<[1], [0], [0], [1], [0, 0, 1, 1], [], []>, transpose_lhs_hint = false} : vector<512x128xf32>, vector<128x128xf32>, vector<512x128xf32> -> vector<512x128xf32>
    %get3A_6 = arith.constant 0 : index
    %get3A_7 = arith.constant 0 : index
    %get3A_8 = vector.load %arg3[%get3A_6, %get3A_7] : memref<512x128xf32, #tpu.memory_space<vmem>>, vector<512x128xf32>
    %slice3A_9 = vector.extract_strided_slice %get3A_1 {offsets = [128, 0], sizes = [128, 128], strides = [1, 1]} : vector<256x128xf32> to vector<128x128xf32>
    %dot_general3A_10 = arith.constant dense<0.000000e+00> : vector<512x128xf32>
    %dot_general3A_11 = tpu.matmul %get3A_8, %slice3A_9, %dot_general3A_10 {dimension_numbers = #tpu.dot_dimension_numbers<[1], [0], [0], [1], [0, 0, 1, 1], [], []>, transpose_lhs_hint = false} : vector<512x128xf32>, vector<128x128xf32>, vector<512x128xf32> -> vector<512x128xf32>
    %add3A = arith.addf %dot_general3A_5, %dot_general3A_11 : vector<512x128xf32>
    %get3A_12 = arith.constant 0 : index
    %get3A_13 = arith.constant 0 : index
    %get3A_14 = vector.load %arg5[%get3A_12, %get3A_13] : memref<512x128xf32, #tpu.memory_space<vmem>>, vector<512x128xf32>
    %get3A_15 = arith.constant 0 : index
    %get3A_16 = arith.constant 0 : index
    %get3A_17 = vector.load %arg6[%get3A_15, %get3A_16] : memref<512x128xf32, #tpu.memory_space<vmem>>, vector<512x128xf32>
    %add3A_18 = arith.addf %get3A_14, %get3A_17 : vector<512x128xf32>
    %get3A_19 = arith.constant 0 : index
    %get3A_20 = arith.constant 0 : index
    %get3A_21 = vector.load %arg7[%get3A_19, %get3A_20] : memref<512x128xf32, #tpu.memory_space<vmem>>, vector<512x128xf32>
    %add3A_22 = arith.addf %add3A_18, %get3A_21 : vector<512x128xf32>
    %get3A_23 = arith.constant 0 : index
    %get3A_24 = memref.load %arg1[%get3A_23] : memref<4xf32, #tpu.memory_space<smem>>
    %mul3A = vector.broadcast %get3A_24 : f32 to vector<512x128xf32>
    %mul3A_25 = arith.mulf %mul3A, %add3A : vector<512x128xf32>
    %get3A_26 = arith.constant 1 : index
    %get3A_27 = memref.load %arg1[%get3A_26] : memref<4xf32, #tpu.memory_space<smem>>
    %get3A_28 = arith.constant 0 : index
    %get3A_29 = arith.constant 0 : index
    %get3A_30 = vector.load %arg3[%get3A_28, %get3A_29] : memref<512x128xf32, #tpu.memory_space<vmem>>, vector<512x128xf32>
    %mul3A_31 = vector.broadcast %get3A_27 : f32 to vector<512x128xf32>
    %mul3A_32 = arith.mulf %mul3A_31, %get3A_30 : vector<512x128xf32>
    %add3A_33 = arith.addf %mul3A_25, %mul3A_32 : vector<512x128xf32>
    %get3A_34 = arith.constant 2 : index
    %get3A_35 = memref.load %arg1[%get3A_34] : memref<4xf32, #tpu.memory_space<smem>>
    %get3A_36 = arith.constant 0 : index
    %get3A_37 = arith.constant 0 : index
    %get3A_38 = vector.load %arg4[%get3A_36, %get3A_37] : memref<512x128xf32, #tpu.memory_space<vmem>>, vector<512x128xf32>
    %mul3A_39 = vector.broadcast %get3A_35 : f32 to vector<512x128xf32>
    %mul3A_40 = arith.mulf %mul3A_39, %get3A_38 : vector<512x128xf32>
    %add3A_41 = arith.addf %add3A_33, %mul3A_40 : vector<512x128xf32>
    %get3A_42 = arith.constant 3 : index
    %get3A_43 = memref.load %arg1[%get3A_42] : memref<4xf32, #tpu.memory_space<smem>>
    %mul3A_44 = vector.broadcast %get3A_43 : f32 to vector<512x128xf32>
    %mul3A_45 = arith.mulf %mul3A_44, %add3A_22 : vector<512x128xf32>
    %add3A_46 = arith.addf %add3A_41, %mul3A_45 : vector<512x128xf32>
    %swap3A = arith.constant 0 : index
    %swap3A_47 = arith.constant 0 : index
    %swap3A_48 = vector.load %arg9[%swap3A, %swap3A_47] : memref<512x128xf32, #tpu.memory_space<vmem>>, vector<512x128xf32>
    tpu.vector_store %arg9[%swap3A, %swap3A_47], %add3A_46 {strides = array<i32>} : memref<512x128xf32, #tpu.memory_space<vmem>>, vector<512x128xf32>,
    return
  }
  func.func @transform_0(%arg0: i32) -> i32 {
    %c0_i32 = arith.constant 0 : i32
    %c0_i32_0 = arith.constant 0 : i32
    return %c0_i32 : i32
  }
  func.func @transform_1(%arg0: i32) -> (i32, i32) {
    %c0_i32 = arith.constant 0 : i32
    %c0_i32_0 = arith.constant 0 : i32
    return %arg0, %c0_i32 : i32, i32
  }
  func.func @transform_2(%arg0: i32) -> (i32, i32) {
    %c0_i32 = arith.constant 0 : i32
    %c0_i32_0 = arith.constant 0 : i32
    return %arg0, %c0_i32 : i32, i32
  }
  func.func @transform_3(%arg0: i32) -> (i32, i32) {
    %c0_i32 = arith.constant 0 : i32
    %c0_i32_0 = arith.constant 0 : i32
    return %arg0, %c0_i32 : i32, i32
  }
  func.func @transform_4(%arg0: i32) -> (i32, i32) {
    %c0_i32 = arith.constant 0 : i32
    %c0_i32_0 = arith.constant 0 : i32
    return %arg0, %c0_i32 : i32, i32
  }
  func.func @transform_5(%arg0: i32) -> (i32, i32) {
    %add3A = arith.constant 20 : i32
    %add3A_0 = arith.addi %arg0, %add3A : i32
    %c0_i32 = arith.constant 0 : i32
    %c0_i32_1 = arith.constant 0 : i32
    return %add3A_0, %c0_i32 : i32, i32
  }
  func.func @transform_6(%arg0: i32) -> (i32, i32) {
    %add3A = arith.constant 40 : i32
    %add3A_0 = arith.addi %arg0, %add3A : i32
    %c0_i32 = arith.constant 0 : i32
    %c0_i32_1 = arith.constant 0 : i32
    return %add3A_0, %c0_i32 : i32, i32
  }
  func.func @transform_7(%arg0: i32) -> (i32, i32) {
    %c0_i32 = arith.constant 0 : i32
    %c0_i32_0 = arith.constant 0 : i32
    %c0_i32_1 = arith.constant 0 : i32
    return %c0_i32, %c0_i32_0 : i32, i32
  }
  func.func @transform_8(%arg0: i32) -> (i32, i32) {
    %c0_i32 = arith.constant 0 : i32
    %c0_i32_0 = arith.constant 0 : i32
    return %arg0, %c0_i32 : i32, i32
  }
}

</mosaic_0001>

<sc_bundles>
// kernel: kernel.5.cloned.1.call-start
scs
__scs_entry_jumppad:
0x0: {  	(pc) =	sbr.rel $0x88, $3  }
0x1: {  	(tag) =	ssettag $0x0;
	lr =	simm.s32 $0x1  }
0x2: {  	[smem:$0x3F9A] =	sst lr;
	_ =	strace $0xD0000000  }
0x3: {  	_ = 	snop  }
0x4: {  	_ = 	snop  }
0x5: {  	_ = 	snop  }
0x6: {  	_ = 	snop  }
0x7: {  	_ = 	snop  }
__scs_overlays_trampoline_lowered:
0x8: {  	[smem:$0x3FA9] =	sst s0  }
0x9: {  	[smem:$0x3FAA] =	sst s1  }
0xa: {  	[smem:$0x3FAB] =	sst s2  }
0xb: {  	[smem:$0x3FAC] =	sst s3  }
0xc: {  	[smem:$0x3FAD] =	sst s4  }
0xd: {  	[smem:$0x3FAE] =	sst s5  }
0xe: {  	[smem:$0x3FAF] =	sst s6  }
0xf: {  	[smem:$0x3FB0] =	sst s7  }
0x10: {  	[smem:$0x3FB1] =	sst s8  }
0x11: {  	[smem:$0x3FB2] =	sst s9;
	s0 =	simm.s32 @!p0 $0x0  }
0x12: {  	s1 =	sld [smem:$0x3F98];
	s0 =	simm.s32 @p0 $0x1  }
0x13: {  	[smem:$0x3FB3] =	sst s0;
	s0 =	simm.s32 @!p1 $0x0  }
0x14: {  	s2 =	sld [smem:$0x3F97];
	s0 =	simm.s32 @p1 $0x1  }
0x15: {  	[smem:$0x3FB4] =	sst s0;
	s0 =	simm.s32 @!p2 $0x0  }
0x16: {  	s3 =	sld [smem:$0x3FDB];
	s0 =	simm.s32 @p2 $0x1  }
0x17: {  	s4 =	simm.s32 $0x1BF5;
	[smem:$0x3FB6] =	sst s0  }
0x18: {  	s0 =	sld [smem:$0x3F99];
	_ =	swait.ge [sflag:s4], $0x0  }
0x19: {  	s7 =	sld [smem:$0x3F9A]  }
0x1a: {  	s8 =	sadd.s32 $0xFFFFE003, lr  }
0x1b: {  	s9 =	sadd.s32 $0xFFFFFEF7, lr;
	s5 =	simm.s32 $0xFFFFFFFF;
	p2 =	slt.u32 s8, $0xFFFFF086  }
0x1c: {  	p1 =	slt.u32 s9, $0xF7A;
	s5 =	simm.s32 @!p2 $0x0  }
0x1d: {  	s5 =	simm.s32 @p1 $0x1;
	p0 =	seq.s32 s7, s2  }
0x1e: {  	s7 =	smul.u32 @!p0 $0xF7A, s2;
	p2 =	seq.s32 @!p0 s5, $0x0  }
0x1f: {  	s9 =	smul.u32 $0xF7A, s1;
	s8 =	simm.s32 @!p0 $0x1BF5;
	p2 =	por !p2, p0  }
0x20: {  	[sflag:s8] =	ssyncset.s32 @!p0 $0xFFFFF086;
	s6 =	sadd.s32 @!p0 s3, s7;
	s7 =	simm.s32 @!p0 $0x108  }
0x21: {  	s3 =	sadd.s32 s3, s9;
	s6 =	sadd.s32 @!p0 $0x88, s6;
	s7 =	simm.s32 @p2 $0x1082  }
0x22: {  	[simem:s7], [sflag:s8] =	dma.local @!p0 [hbm:s6], $0xF7A  }
0x23: {  	s9 =	sor.u32 $0xD0000000, s2;
	s6 =	simm.s32 $0x108;
	_ =	swait.ge @!p0 [sflag:s8], $0x0  }
0x24: {  	s3 =	sadd.s32 $0x88, s3;
	s6 =	simm.s32 @!p1 $0x1082;
	[sflag:s4] =	ssyncset.s32 $0xFFFFF086  }
0x25: {  	[simem:s6], [sflag:s4] =	dma.local [hbm:s3], $0xF7A  }
0x26: {  	[smem:$0x3F9A] =	sst s1;
	(tag) =	ssettag s2;
	_ =	strace s9  }
0x27: {  	s1 =	sld [smem:$0x3FAA]  }
0x28: {  	s2 =	sld [smem:$0x3FAB]  }
0x29: {  	s4 =	sld [smem:$0x3FAD]  }
0x2a: {  	p0 =	seq.s32 s5, $0x0;
	s5 =	sld [smem:$0x3FAE]  }
0x2b: {  	s6 =	sld [smem:$0x3FAF]  }
0x2c: {  	s7 =	sld [smem:$0x3FB0]  }
0x2d: {  	s3 =	simm.s32 $0x108;
	s8 =	sld [smem:$0x3FB1]  }
0x2e: {  	s3 =	simm.s32 @!p0 $0x1082;
	s9 =	sld [smem:$0x3FB2]  }
0x2f: {  	lr =	sadd.s32 s0, s3;
	s0 =	sld [smem:$0x3FA9]  }
0x30: {  	s3 =	sld [smem:$0x3FAC]  }
0x31: {  	[smem:$0x3FB5] =	sst s10  }
0x32: {  	s10 =	sld [smem:$0x3FB3];
	_ =	sdelay $0x3  }
0x33: {  	p0 =	seq.s32 s10, $0x1;
	s10 =	sld [smem:$0x3FB5];
	_ =	sdelay $0x3  }
0x34: {  	[smem:$0x3FB5] =	sst s10  }
0x35: {  	s10 =	sld [smem:$0x3FB4];
	_ =	sdelay $0x3  }
0x36: {  	p1 =	seq.s32 s10, $0x1;
	s10 =	sld [smem:$0x3FB5];
	_ =	sdelay $0x3  }
0x37: {  	[smem:$0x3FB5] =	sst s10  }
0x38: {  	s10 =	sld [smem:$0x3FB6]  }
0x39: {  	_ = 	snop;
	(pc) =	sbr.ind lr, $3  }
0x3a: {  	_ = 	snop  }
0x3b: {  	_ = 	snop  }
0x3c: {  	p2 =	seq.s32 s10, $0x1;
	s10 =	sld [smem:$0x3FB5]  }
0x3d: {  	_ =	shalt  }
0x3e: {  	_ =	shalt  }
0x3f: {  	_ =	shalt  }
0x40: {  	_ =	shalt  }
0x41: {  	_ =	shalt  }
0x42: {  	_ =	shalt  }
0x43: {  	_ =	shalt  }
0x44: {  	_ =	shalt  }
0x45: {  	_ =	shalt  }
0x46: {  	_ =	shalt  }
0x47: {  	_ =	shalt  }
0x48: {  	_ =	shalt  }
0x49: {  	_ =	shalt  }
0x4a: {  	_ =	shalt  }
0x4b: {  	_ =	shalt  }
0x4c: {  	_ =	shalt  }
0x4d: {  	_ =	shalt  }
0x4e: {  	_ =	shalt  }
0x4f: {  	_ =	shalt  }
0x50: {  	_ =	shalt  }
0x51: {  	_ =	shalt  }
0x52: {  	_ =	shalt  }
0x53: {  	_ =	shalt  }
0x54: {  	_ =	shalt  }
0x55: {  	_ =	shalt  }
0x56: {  	_ =	shalt  }
0x57: {  	_ =	shalt  }
0x58: {  	_ =	shalt  }
0x59: {  	_ =	shalt  }
0x5a: {  	_ =	shalt  }
0x5b: {  	_ =	shalt  }
0x5c: {  	_ =	shalt  }
0x5d: {  	_ =	shalt  }
0x5e: {  	_ =	shalt  }
0x5f: {  	_ =	shalt  }
0x60: {  	_ =	shalt  }
0x61: {  	_ =	shalt  }
0x62: {  	_ =	shalt  }
0x63: {  	_ =	shalt  }
0x64: {  	_ =	shalt  }
0x65: {  	_ =	shalt  }
0x66: {  	_ =	shalt  }
0x67: {  	_ =	shalt  }
0x68: {  	_ =	shalt  }
0x69: {  	_ =	shalt  }
0x6a: {  	_ =	shalt  }
0x6b: {  	_ =	shalt  }
0x6c: {  	_ =	shalt  }
0x6d: {  	_ =	shalt  }
0x6e: {  	_ =	shalt  }
0x6f: {  	_ =	shalt  }
0x70: {  	_ =	shalt  }
0x71: {  	_ =	shalt  }
0x72: {  	_ =	shalt  }
0x73: {  	_ =	shalt  }
0x74: {  	_ =	shalt  }
0x75: {  	_ =	shalt  }
0x76: {  	_ =	shalt  }
0x77: {  	_ =	shalt  }
0x78: {  	_ =	shalt  }
0x79: {  	_ =	shalt  }
0x7a: {  	_ =	shalt  }
0x7b: {  	_ =	shalt  }
0x7c: {  	_ =	shalt  }
0x7d: {  	_ =	shalt  }
0x7e: {  	_ =	shalt  }
0x7f: {  	_ =	shalt  }
0x80: {  	_ =	shalt  }
0x81: {  	_ =	shalt  }
0x82: {  	_ =	shalt  }
0x83: {  	_ =	shalt  }
0x84: {  	_ =	shalt  }
0x85: {  	_ =	shalt  }
0x86: {  	_ =	shalt  }
0x87: {  	_ =	shalt  }
.Lfunc_end0:
.L_simem_size_0:
called_computation_lowered:
.L_overlay_start_0:
0x88: {  	s2 =	sld [smem:$0x3FD9]  }
0x89: {  	s3 =	sld [smem:$0x3FFE];
	_ =	sdelay $0x1  }
0x8a: {  	s1 =	srdreg.scid  }
0x8b: {  	s0 =	sand.u32 $0x1, s1  }
0x8c: {  	s17 =	sshll.u32 s0, $0xA;
	s2 =	sadd.s32 s3, s2  }
0x8d: {  	s2 =	sadd.s32 s2, s17  }
0x8e: {  	[smem:$0x3FC1] =	sst s2  }
0x8f: {  	_ = 	snop  }
0x90: {  	s2 =	sld [smem:$0x3FC9]  }
0x91: {  	s18 =	sld [smem:$0x3FD0];
	(tm) =	ssettm $0x1  }
0x92: {  	s4 =	sld [smem:$0x3FFB];
	_ =	sdelay $0x3  }
0x93: {  	_ =	strace s4  }
0x94: {  	s4 =	sld [smem:$0x3FFC];
	_ =	sdelay $0x3  }
0x95: {  	_ =	strace s4  }
0x96: {  	s4 =	sld [smem:$0x3FFD];
	_ =	sdelay $0x3  }
0x97: {  	_ =	strace s4  }
0x98: {  	_ =	strace $0x8FFFFFFF  }
0x99: {  	s19 =	sld [smem:$0x3FDB];
	_ =	sdelay $0x1  }
0x9a: {  	s5 =	simm.s32 $_scs_section_size  }
0x9b: {  	s6 =	simm.s32 $_size__tile_overlayer_lowered;
	s7 =	simm.s32 $_tile_overlayer_lowered  }
0x9c: {  	s22 =	simm.s32 $0x1BFF;
	s21 =	sshll.u32 s7, $0x1;
	s4 =	sadd.s32 s5, s19  }
0x9d: {  	s8 =	simm.s32 $0x0;
	s20 =	sshll.u32 s6, $0x1;
	s6 =	sadd.s32 s21, s4  }
0x9e: {  	[timem:s8], [sflag:s22] =	dma.local [hbm:s6], s20  }
0x9f: {  	_ =	swait.ge [sflag:s22], s20  }
0xa0: {  	s5 =	ssub.s32 $0x0, s20;
	[sflag:s22] =	ssyncset.done $0x0  }
0xa1: {  	[sflag:s22] =	ssyncadd.s32 s5;
	_ =	sdelay $0x1  }
0xa2: {  	s23 =	simm.s32 $0x1B8B  }
0xa3: {  	_ =	swait.ge [sflag:s23], $0x1  }
0xa4: {  	[sflag:s23] =	ssyncset.done $0x0  }
0xa5: {  	s25 =	simm.s32 $0x1B8E;
	s24 =	sld [smem:$0x3FFE];
	[sflag:s23] =	ssyncadd.s32 $0xFFFFFFFF  }
0xa6: {  	s26 =	simm.s32 $execute0_lowered;
	[smem:$0x3FD2] =	sst s25  }
0xa7: {  	s6 =	sshll.u32 s26, $0x1;
	_ =	strace $0x80000046;
	[dreg:$0x1] =	wrdreg $0xFFFFFFFF  }
0xa8: {  	s28 =	simm.s32 $_size_execute0_lowered;
	s4 =	sadd.s32 s4, s6;
	[dreg:$0x0] =	wrdreg $0x0  }
0xa9: {  	s6 =	sshll.u32 s28, $0x1;
	[dreg:$0x2] =	wrdreg s4  }
0xaa: {  	[dreg:$0x3] =	wrdreg s6  }
0xab: {  	[dreg:$0x4] =	wrdreg $0xC0  }
0xac: {  	_ =	task [dreg:s8], $0x5FFFF  }
0xad: {  	[dreg:$0x1] =	wrdreg $0xFFFFFFFF  }
0xae: {  	[dreg:$0x0] =	wrdreg $0x60  }
0xaf: {  	[dreg:$0x2] =	wrdreg s18  }
0xb0: {  	[dreg:$0x3] =	wrdreg s2  }
0xb1: {  	[dreg:$0x4] =	wrdreg s24  }
0xb2: {  	[dreg:$0x5] =	wrdreg $0x9  }
0xb3: {  	_ =	task.clear_ibuf [dreg:s8], $0x6FFFF;
	_ =	strace $0x90000046  }
0xb4: {  	s29 =	simm.s32 $0x9;
	_ =	strace $0x80000048  }
0xb5: {  	_ =	swait.ge [sflag:s29], $0x1  }
0xb6: {  	[sflag:s29] =	ssyncadd.s32 $0xFFFFFFFF  }
0xb7: {  	_ =	strace $0x90000048  }
0xb8: {  	_ =	sfence  }
0xb9: {  	s30 =	sld [smem:$0x0];
	_ =	sdelay $0x2  }
0xba: {  	s31 =	sshll.u32 s1, $0xD;
	s1 =	sshrl.u32 s1, $0x2  }
0xbb: {  	s3 =	sand.u32 $0x4000, s31;
	s1 =	sadd.s32 s1, s30  }
0xbc: {  	s0 =	sor.u32 s3, s0;
	s1 =	sshll.u32 s1, $0x11  }
0xbd: {  	s0 =	sor.u32 s1, s0  }
0xbe: {  	s0 =	sadd.s32 $0x8F2B, s0  }
0xbf: {  	[sflag:s0] =	ssyncadd.remote.s32 $0x1  }
0xc0: {  	_ =	sfence.sel $0xFFFF  }
0xc1: {  	[dreg:$0x0] =	wrdreg $0xFFFFFFFF;
	(pc) =	sbr.abs _section_cstart, $3  }
0xc2: {  	[dreg:$0x1] =	wrdreg $0xFFFFFFFF  }
0xc3: {  	_ =	task.clear_ibuf [dreg:s8], $0x2FFFF;
	_ =	strace $0x9FFFFFFF  }
0xc4: {  	(tm) =	ssettm $0x7FFFFFFF  }
0xc5: {  	_ =	shalt  }
tec
execute0_lowered:
.L_overlay_start_1:
0x0: {  	(tag) =	ssettag $0x1  }
0x1: {  	s4 =	rddreg [dreg:$0x0]  }
0x2: {  	s2 =	rddreg [dreg:$0x1]  }
0x3: {  	s1 =	srdreg.scid;
	s0 =	stileid.u32  }
0x4: {  	s23 =	rddreg [dreg:$0x2];
	s24 =	sand.u32 $0x1, s1;
	s5 =	sshll.u32 s0, $0x1  }
0x5: {  	s3 =	simm.s32 $0x0;
	s1 =	rddreg [dreg:$0x3];
	s25 =	sor.u32 s24, s5  }
0x6: {  	[smem:$0x7FF] =	sst s3;
	s5 =	sshll.u32 s25, $0x7  }
0x7: {  	_ =	strace $0x80000047;
	s5 =	sadd.s32 s4, s5;
	s4 =	simm.s32 $0x2  }
0x8: {  	[tilespmem:s3], [sflag:$0x2] =	stream.linear.gather [hbm4b:s5+s3], $0x400, $0x38;
	[tilespmem:$0x1E400] =	vst v63  }
0x9: {  	_ =	swait.ge [sflag:s4], $0x400  }
0xa: {  	[sflag:s4] =	ssyncset.done $0x0  }
0xb: {  	s6 =	simm.s32 $0x78;
	s7 =	simm.s32 $0x400;
	[sflag:s4] =	ssyncadd.s32 $0xFFFFFC00  }
0xc: {  	[tilespmem:s7], [sflag:$0x1] =	stream.indirect.gather [hbm4b:s2+s6], $0x80, s3, s6, $0xb8;
	[tilespmem:$0x1E400] =	vst v63  }
0xd: {  	s8 =	simm.s32 $0x80;
	s9 =	simm.s32 $0x4000  }
0xe: {  	[tilespmem:s9], [sflag:$0x1] =	stream.indirect.gather [hbm4b:s2+s6], $0x80, s8, s6, $0xb8;
	[tilespmem:$0x1E400] =	vst v63  }
0xf: {  	s10 =	simm.s32 $0x100;
	s11 =	simm.s32 $0x7C00  }
0x10: {  	[tilespmem:s11], [sflag:$0x1] =	stream.indirect.gather [hbm4b:s2+s6], $0x80, s10, s6, $0xb8;
	[tilespmem:$0x1E400] =	vst v63  }
0x11: {  	s12 =	simm.s32 $0x180;
	s13 =	simm.s32 $0xB800  }
0x12: {  	[tilespmem:s13], [sflag:$0x1] =	stream.indirect.gather [hbm4b:s2+s6], $0x80, s12, s6, $0xb8;
	[tilespmem:$0x1E400] =	vst v63  }
0x13: {  	s14 =	simm.s32 $0x200;
	s15 =	simm.s32 $0xF400  }
0x14: {  	[tilespmem:s15], [sflag:$0x1] =	stream.indirect.gather [hbm4b:s2+s6], $0x80, s14, s6, $0xb8;
	[tilespmem:$0x1E400] =	vst v63  }
0x15: {  	s16 =	simm.s32 $0x280;
	s17 =	simm.s32 $0x13000  }
0x16: {  	[tilespmem:s17], [sflag:$0x1] =	stream.indirect.gather [hbm4b:s2+s6], $0x80, s16, s6, $0xb8;
	[tilespmem:$0x1E400] =	vst v63  }
0x17: {  	s18 =	simm.s32 $0x300;
	s19 =	simm.s32 $0x16C00  }
0x18: {  	[tilespmem:s19], [sflag:$0x1] =	stream.indirect.gather [hbm4b:s2+s6], $0x80, s18, s6, $0xb8;
	[tilespmem:$0x1E400] =	vst v63  }
0x19: {  	s20 =	simm.s32 $0x380;
	s21 =	simm.s32 $0x1A800;
	s22 =	simm.s32 $0x1  }
0x1a: {  	[tilespmem:s21], [sflag:$0x1] =	stream.indirect.gather [hbm4b:s2+s6], $0x80, s20, s6, $0xb8;
	[tilespmem:$0x1E400] =	vst v63  }
0x1b: {  	_ =	swait.ge [sflag:s22], $0x3C00  }
0x1c: {  	[sflag:s22] =	ssyncset.done $0x0  }
0x1d: {  	[sflag:s22] =	ssyncadd.s32 $0xFFFFC400  }
0x1e: {  	_ =	swait.ge [sflag:s22], $0x3C00  }
0x1f: {  	[sflag:s22] =	ssyncset.done $0x0  }
0x20: {  	[sflag:s22] =	ssyncadd.s32 $0xFFFFC400  }
0x21: {  	_ =	swait.ge [sflag:s22], $0x3C00  }
0x22: {  	[sflag:s22] =	ssyncset.done $0x0  }
0x23: {  	[sflag:s22] =	ssyncadd.s32 $0xFFFFC400  }
0x24: {  	_ =	swait.ge [sflag:s22], $0x3C00  }
0x25: {  	[sflag:s22] =	ssyncset.done $0x0  }
0x26: {  	[sflag:s22] =	ssyncadd.s32 $0xFFFFC400  }
0x27: {  	_ =	swait.ge [sflag:s22], $0x3C00  }
0x28: {  	[sflag:s22] =	ssyncset.done $0x0  }
0x29: {  	[sflag:s22] =	ssyncadd.s32 $0xFFFFC400  }
0x2a: {  	_ =	swait.ge [sflag:s22], $0x3C00  }
0x2b: {  	[sflag:s22] =	ssyncset.done $0x0  }
0x2c: {  	s24 =	ssub.s32 $0x2, s24;
	[sflag:s22] =	ssyncadd.s32 $0xFFFFC400  }
0x2d: {  	s26 =	sshrl.u32 s24, $0x1;
	_ =	swait.ge [sflag:s22], $0x3C00  }
0x2e: {  	s24 =	ssub.s32 s24, s26;
	[sflag:s22] =	ssyncset.done $0x0  }
0x2f: {  	s25 =	smul.u32 $0x3C00, s25;
	s24 =	smax.u32 s24, $0x1;
	[sflag:s22] =	ssyncadd.s32 $0xFFFFC400  }
0x30: {  	p0 =	sne.s32 s24, $0x1;
	_ =	swait.ge [sflag:s22], $0x3C00  }
.Ltmp0:
0x31: {  	s23 =	sadd.s32 s25, s23;
	[sflag:s22] =	ssyncset.done $0x0;
	(pc) =	sbr.rel @!p0 .LBB2_2-.Ltmp0, $4  }
0x32: {  	s23 =	sadd.s32 $0x1A00, s23;
	[sflag:s22] =	ssyncadd.s32 $0xFFFFC400  }
0x33: {  	[hbm4b:s23+s3] =	stream.linear.scatter [tilespmem:s7], [sflag:$0x2], $0x1E000, $0x38;
	[tilespmem:$0x1E400] =	vst v63  }
0x34: {  	_ =	swait.ge [sflag:s4], $0x1E000  }
0x35: {  	s24 =	sadd.s32 $0xFFFFFFFF, s24;
	[sflag:s4] =	ssyncset.done $0x0  }
.LBB2_1:
0x36: {  	p0 =	sne.s32 s24, $0x1;
	s24 =	sadd.s32 $0xFFFFFFFF, s24;
	[sflag:s4] =	ssyncadd.s32 $0xFFFE2000  }
0x37: {  	[tilespmem:s3], [sflag:$0x2] =	stream.linear.gather [hbm4b:s5+s3], $0x400, $0x38;
	[tilespmem:$0x1E400] =	vst v63  }
0x38: {  	_ =	swait.ge [sflag:s4], $0x400  }
0x39: {  	[sflag:s4] =	ssyncset.done $0x0  }
0x3a: {  	[sflag:s4] =	ssyncadd.s32 $0xFFFFFC00  }
0x3b: {  	[tilespmem:s7], [sflag:$0x1] =	stream.indirect.gather [hbm4b:s2+s6], $0x80, s3, s6, $0xb8;
	[tilespmem:$0x1E400] =	vst v63  }
0x3c: {  	_ = 	snop  }
0x3d: {  	[tilespmem:s9], [sflag:$0x1] =	stream.indirect.gather [hbm4b:s2+s6], $0x80, s8, s6, $0xb8;
	[tilespmem:$0x1E400] =	vst v63  }
0x3e: {  	_ = 	snop  }
0x3f: {  	[tilespmem:s11], [sflag:$0x1] =	stream.indirect.gather [hbm4b:s2+s6], $0x80, s10, s6, $0xb8;
	[tilespmem:$0x1E400] =	vst v63  }
0x40: {  	_ = 	snop  }
0x41: {  	[tilespmem:s13], [sflag:$0x1] =	stream.indirect.gather [hbm4b:s2+s6], $0x80, s12, s6, $0xb8;
	[tilespmem:$0x1E400] =	vst v63  }
0x42: {  	_ = 	snop  }
0x43: {  	[tilespmem:s15], [sflag:$0x1] =	stream.indirect.gather [hbm4b:s2+s6], $0x80, s14, s6, $0xb8;
	[tilespmem:$0x1E400] =	vst v63  }
0x44: {  	_ = 	snop  }
0x45: {  	[tilespmem:s17], [sflag:$0x1] =	stream.indirect.gather [hbm4b:s2+s6], $0x80, s16, s6, $0xb8;
	[tilespmem:$0x1E400] =	vst v63  }
0x46: {  	_ = 	snop  }
0x47: {  	[tilespmem:s19], [sflag:$0x1] =	stream.indirect.gather [hbm4b:s2+s6], $0x80, s18, s6, $0xb8;
	[tilespmem:$0x1E400] =	vst v63  }
0x48: {  	_ = 	snop  }
0x49: {  	[tilespmem:s21], [sflag:$0x1] =	stream.indirect.gather [hbm4b:s2+s6], $0x80, s20, s6, $0xb8;
	[tilespmem:$0x1E400] =	vst v63  }
0x4a: {  	_ =	swait.ge [sflag:s22], $0x3C00  }
0x4b: {  	[sflag:s22] =	ssyncset.done $0x0  }
0x4c: {  	[sflag:s22] =	ssyncadd.s32 $0xFFFFC400  }
0x4d: {  	_ =	swait.ge [sflag:s22], $0x3C00  }
0x4e: {  	[sflag:s22] =	ssyncset.done $0x0  }
0x4f: {  	[sflag:s22] =	ssyncadd.s32 $0xFFFFC400  }
0x50: {  	_ =	swait.ge [sflag:s22], $0x3C00  }
0x51: {  	[sflag:s22] =	ssyncset.done $0x0  }
0x52: {  	[sflag:s22] =	ssyncadd.s32 $0xFFFFC400  }
0x53: {  	_ =	swait.ge [sflag:s22], $0x3C00  }
0x54: {  	[sflag:s22] =	ssyncset.done $0x0  }
0x55: {  	[sflag:s22] =	ssyncadd.s32 $0xFFFFC400  }
0x56: {  	_ =	swait.ge [sflag:s22], $0x3C00  }
0x57: {  	[sflag:s22] =	ssyncset.done $0x0  }
0x58: {  	[sflag:s22] =	ssyncadd.s32 $0xFFFFC400  }
0x59: {  	_ =	swait.ge [sflag:s22], $0x3C00  }
0x5a: {  	[sflag:s22] =	ssyncset.done $0x0  }
0x5b: {  	[sflag:s22] =	ssyncadd.s32 $0xFFFFC400  }
0x5c: {  	_ =	swait.ge [sflag:s22], $0x3C00  }
0x5d: {  	[sflag:s22] =	ssyncset.done $0x0  }
0x5e: {  	[sflag:s22] =	ssyncadd.s32 $0xFFFFC400  }
0x5f: {  	_ =	swait.ge [sflag:s22], $0x3C00  }
.Ltmp1:
0x60: {  	[sflag:s22] =	ssyncset.done $0x0;
	(pc) =	sbr.rel @p0 .LBB2_1-.Ltmp1, $4  }
0x61: {  	[sflag:s22] =	ssyncadd.s32 $0xFFFFC400  }
0x62: {  	[hbm4b:s23+s3] =	stream.linear.scatter [tilespmem:s7], [sflag:$0x2], $0x1E000, $0x38;
	[tilespmem:$0x1E400] =	vst v63  }
0x63: {  	_ =	swait.ge [sflag:s4], $0x1E000  }
0x64: {  	[sflag:s4] =	ssyncset.done $0x0  }
.LBB2_2:
0x65: {  	[sflag:s4] =	ssyncadd.s32 $0xFFFE2000  }
0x66: {  	_ =	sfence.sel $0x180000  }
0x67: {  	[bflag:$0x0] =	sbarrier.arrive $0xFFFF  }
0x68: {  	p0 =	sne.s32 s0, $0x0;
	_ =	strace $0x90000047  }
0x69: {  	s0 =	sadd.s32 @!p0 $0x100000, s1;
	[bflag:$0x2] =	sbarrier.arrive $0xFFFF  }
0x6a: {  	[sflag:s0] =	ssyncadd.tile.s32 @!p0 $0x1;
	_ =	shalt  }
.Lfunc_end2:
_tile_overlayer_lowered:
.L_overlay_start_2:
0x6b: {  	(tag) =	ssettag $0x2  }
0x6c: {  	s0 =	rddreg [dreg:$0x0];
	s2 =	stileid.u32  }
0x6d: {  	s1 =	rddreg [dreg:$0x1];
	p0 =	sne.s32 s2, $0x0  }
0x6e: {  	s3 =	rddreg [dreg:$0x2];
	[bflag:$0x3] =	sbarrier.arrive $0xFFFF;
	s2 =	simm.s32 @!p0 $0x1C02  }
0x6f: {  	[timem:s3], [sflag:s2] =	dma.local @!p0 [hbm:s0], s1  }
0x70: {  	s0 =	simm.s32 @!p0 $0x2  }
0x71: {  	_ =	swait.ge @!p0 [sflag:s0], s1  }
0x72: {  	s1 =	ssub.s32 @!p0 $0x0, s1;
	[sflag:s0] =	ssyncset.done @!p0 $0x0  }
0x73: {  	[sflag:s0] =	ssyncadd.s32 @!p0 s1  }
0x74: {  	[bflag:$0x3] =	sbarrier.arrive $0xFFFF  }
0x75: {  	_ =	shalt  }

</sc_bundles>
